<compile_context>
chip_gen: v7x
topology: tpu7x:2x2x1
jax: 0.10.2.dev20260603
libtpu: 0.0.44.dev20260713+nightly
codegen_flags: <defaults>
</compile_context>

<pallas_src>
import jax
import jax.numpy as jnp
from jax import lax
from jax.experimental import pallas as pl
from jax.experimental.pallas import tpu as pltpu
from jax.experimental.pallas import tpu_sc as plsc

_N = 10000
_E = 320000
_D = 128
_H = 256
_OUT = 128
_HEADS = 4
_ET = 5

_NC = 2
_NS = 16
_NW = _NC * _NS
_CHUNK = 128
_NCHUNKS = _E // _CHUNK
_FULL_ROUNDS = _NCHUNKS // _NW
_TAIL = _NCHUNKS - _FULL_ROUNDS * _NW
_RPT = 624
_RTAIL = _N - _RPT * _NS

_F32 = jnp.float32



def _scale_table_body(rel_ref, x_ref, out_ref):
    t = pl.program_id(0)
    out_ref[0] = x_ref[...] * rel_ref[t]


def _eidx_body(et_ref, src_ref, out_ref):
    out_ref[...] = et_ref[...] * _N + src_ref[...]


def _wfold_body(wi_ref, wn_ref, wo_ref, wcomb_ref, wout_ref):
    wcomb_ref[...] = jnp.dot(wi_ref[...], wn_ref[...],
                             preferred_element_type=_F32,
                             precision=None)
    wo = wo_ref[...]
    wout_ref[...] = 0.25 * (wo[:, 0:128] + wo[:, 128:256]
                            + wo[:, 256:384] + wo[:, 384:512])



def _sc_agg_body(xs_hbm, eidx_hbm, dst_hbm, agg_out, deg_out,
                 eidx_v, dst_v, rows_v, ones_v, zdeg_v, acc_s, deg_s,
                 sem0, sem1, sems0, sems1):
    sems = [sem0, sem1]
    semss = [sems0, sems1]
    cid = lax.axis_index("c")
    sid = lax.axis_index("s")
    wid = cid * _NS + sid

    zeros16 = jnp.zeros((16,), _F32)
    ones16 = jnp.ones((16,), _F32)

    def z_rows(k, carry):
        for j in range(_D // 16):
            rows_v[0, k, pl.ds(j * 16, 16)] = zeros16
        return carry
    lax.fori_loop(0, _CHUNK, z_rows, 0)

    def z_deg(k, carry):
        zdeg_v[pl.ds(k * 16, 16)] = zeros16
        return carry
    lax.fori_loop(0, 1000 // 16, z_deg, 0)
    zdeg_v[pl.ds(1000 - 16, 16)] = zeros16

    def s_ones(k, carry):
        ones_v[pl.ds(k * 16, 16)] = ones16
        return carry
    lax.fori_loop(0, _CHUNK // 16, s_ones, 0)

    r0 = sid * _RPT
    for t in range(_RPT // _CHUNK):
        pltpu.sync_copy(rows_v.at[0],
                        acc_s.at[pl.ds(r0 + t * _CHUNK, _CHUNK), :])
    rem = _RPT - (_RPT // _CHUNK) * _CHUNK
    pltpu.sync_copy(rows_v.at[0, pl.ds(0, rem), :],
                    acc_s.at[pl.ds(r0 + _RPT - rem, rem), :])

    @pl.when(sid == 0)
    def _():
        pltpu.sync_copy(rows_v.at[0, pl.ds(0, _RTAIL), :],
                        acc_s.at[pl.ds(_RPT * _NS, _RTAIL), :])

    @pl.when(sid < _N // 1000)
    def _():
        pltpu.sync_copy(zdeg_v, deg_s.at[pl.ds(sid * 1000, 1000)])

    def load_idx(ci, s):
        off = ci * _CHUNK
        pltpu.sync_copy(eidx_hbm.at[pl.ds(off, _CHUNK)], eidx_v.at[s])
        pltpu.sync_copy(dst_hbm.at[pl.ds(off, _CHUNK)], dst_v.at[s])

    def fire_g(s):
        pltpu.async_copy(xs_hbm.at[eidx_v.at[s]], rows_v.at[s], sems[s])

    def wait_g(s):
        pltpu.make_async_copy(xs_hbm.at[eidx_v.at[s]], rows_v.at[s],
                              sems[s]).wait()

    def fire_s(s):
        pltpu.async_copy(rows_v.at[s], acc_s.at[dst_v.at[s]], semss[s],
                         add=True)
        pltpu.sync_copy(ones_v, deg_s.at[dst_v.at[s]], add=True)

    def wait_s(s):
        pltpu.make_async_copy(rows_v.at[s], acc_s.at[dst_v.at[s]],
                              semss[s]).wait()

    def finish(s):
        pltpu.sync_copy(rows_v.at[s], acc_s.at[dst_v.at[s]], add=True)
        pltpu.sync_copy(ones_v, deg_s.at[dst_v.at[s]], add=True)

    def chunk_of(k):
        return k * _NW + wid

    load_idx(chunk_of(0), 0)
    fire_g(0)

    plsc.subcore_barrier()

    load_idx(chunk_of(1), 1)
    fire_g(1)
    wait_g(0)
    fire_s(0)
    wait_s(0)
    load_idx(chunk_of(2), 0)
    fire_g(0)
    wait_g(1)
    fire_s(1)

    def round_body(r, carry):
        for u in range(2):
            k = r * 2 + 2 + u
            s, s1 = u, 1 - u
            wait_s(s1)
            load_idx(chunk_of(k + 1), s1)
            fire_g(s1)
            wait_g(s)
            fire_s(s)
        return carry
    lax.fori_loop(0, (_FULL_ROUNDS - 4) // 2, round_body, 0)

    wait_s(1)
    load_idx(chunk_of(_FULL_ROUNDS - 1), 1)
    fire_g(1)
    wait_g(0)
    fire_s(0)
    wait_s(0)
    wait_g(1)
    fire_s(1)
    wait_s(1)

    @pl.when(wid < _TAIL)
    def _():
        load_idx(_FULL_ROUNDS * _NW + wid, 0)
        fire_g(0)
        wait_g(0)
        finish(0)

    plsc.subcore_barrier()

    pltpu.sync_copy(acc_s.at[pl.ds(r0, _RPT), :],
                    agg_out.at[cid, pl.ds(r0, _RPT), :])

    @pl.when(sid == 0)
    def _():
        pltpu.sync_copy(acc_s.at[pl.ds(_RPT * _NS, _RTAIL), :],
                        agg_out.at[cid, pl.ds(_RPT * _NS, _RTAIL), :])

    @pl.when(sid < _N // 1000)
    def _():
        pltpu.sync_copy(deg_s.at[pl.ds(sid * 1000, 1000)], zdeg_v)
        pltpu.sync_copy(zdeg_v, deg_out.at[pl.ds(cid * _N + sid * 1000, 1000)])


def _sc_aggregate(xs, eidx, dst):
    mesh = plsc.VectorSubcoreMesh(core_axis_name="c", subcore_axis_name="s")
    return pl.kernel(
        _sc_agg_body,
        out_type=(
            jax.ShapeDtypeStruct((_NC, _N, _D), _F32),
            jax.ShapeDtypeStruct((_NC * _N,), _F32),
        ),
        mesh=mesh,
        scratch_types=[
            pltpu.VMEM((2, _CHUNK), jnp.int32),
            pltpu.VMEM((2, _CHUNK), jnp.int32),
            pltpu.VMEM((2, _CHUNK, _D), _F32),
            pltpu.VMEM((_CHUNK,), _F32),
            pltpu.VMEM((1000,), _F32),
            pltpu.VMEM_SHARED((_N, _D), _F32),
            pltpu.VMEM_SHARED((_N,), _F32),
            pltpu.SemaphoreType.DMA,
            pltpu.SemaphoreType.DMA,
            pltpu.SemaphoreType.DMA,
            pltpu.SemaphoreType.DMA,
        ],
    )(xs, eidx, dst)



def _dense1_body(x_ref, wi_ref, bi_ref, ws_ref, bh_ref, zself_ref):
    prec = None
    h = jnp.dot(x_ref[...], wi_ref[...], preferred_element_type=_F32,
                precision=prec) + bi_ref[...]
    zself_ref[...] = jnp.dot(h, ws_ref[...], preferred_element_type=_F32,
                             precision=prec) + bh_ref[...]


def _dense2_body(zself_ref, agg_ref, deg_ref, wc_ref, g_ref, be_ref,
                 wo_ref, bo_ref, out_ref):
    prec = None
    aggx = agg_ref[0] + agg_ref[1]
    denom = jnp.maximum(deg_ref[0] + deg_ref[1], 1.0)
    aggx = aggx / denom
    z = zself_ref[...] + jnp.dot(aggx, wc_ref[...],
                                 preferred_element_type=_F32, precision=prec)
    z = jnp.maximum(z, 0.0)
    mu = jnp.mean(z, axis=1, keepdims=True)
    zc = z - mu
    var = jnp.mean(zc * zc, axis=1, keepdims=True)
    zn = zc * jax.lax.rsqrt(var + 1e-5) * g_ref[...] + be_ref[...]
    o = jnp.dot(zn, wo_ref[...], preferred_element_type=_F32,
                precision=prec) + bo_ref[...]
    nrm = jnp.sqrt(jnp.sum(o * o, axis=1, keepdims=True))
    out_ref[...] = o / jnp.maximum(nrm, 1e-12)



def kernel(x, edge_index, ntype, etype, W_i2h, b_i2h, rel_scale, W_self,
           W_neigh, b_h, gamma, beta, W_out, b_out):
    src = edge_index[0]
    dst = edge_index[1]

    xs = pl.pallas_call(
        _scale_table_body,
        grid=(_ET,),
        in_specs=[
            pl.BlockSpec(memory_space=pltpu.SMEM),
            pl.BlockSpec((_N, _D), lambda t: (0, 0)),
        ],
        out_specs=pl.BlockSpec((1, _N, _D), lambda t: (t, 0, 0)),
        out_shape=jax.ShapeDtypeStruct((_ET, _N, _D), _F32),
    )(rel_scale, x)
    xs = xs.reshape(_ET * _N, _D)

    _ER, _EC = _NCHUNKS, _CHUNK
    eidx = pl.pallas_call(
        _eidx_body,
        out_shape=jax.ShapeDtypeStruct((_ER, _EC), jnp.int32),
    )(etype.reshape(_ER, _EC), src.reshape(_ER, _EC))
    eidx = eidx.reshape(_E)

    w_comb, w_out_m = pl.pallas_call(
        _wfold_body,
        out_shape=(
            jax.ShapeDtypeStruct((_D, _H), _F32),
            jax.ShapeDtypeStruct((_H, _OUT), _F32),
        ),
    )(W_i2h, W_neigh, W_out)

    agg_parts, deg_parts = _sc_aggregate(xs, eidx, dst)

    _R = 1000
    _NB = _N // _R
    zself = pl.pallas_call(
        _dense1_body,
        grid=(_NB,),
        in_specs=[
            pl.BlockSpec((_R, _D), lambda i: (i, 0)),
            pl.BlockSpec((_D, _H), lambda i: (0, 0)),
            pl.BlockSpec((1, _H), lambda i: (0, 0)),
            pl.BlockSpec((_H, _H), lambda i: (0, 0)),
            pl.BlockSpec((1, _H), lambda i: (0, 0)),
        ],
        out_specs=pl.BlockSpec((_R, _H), lambda i: (i, 0)),
        out_shape=jax.ShapeDtypeStruct((_N, _H), _F32),
    )(x, W_i2h, b_i2h.reshape(1, _H), W_self, b_h.reshape(1, _H))

    out = pl.pallas_call(
        _dense2_body,
        grid=(_NB,),
        in_specs=[
            pl.BlockSpec((_R, _H), lambda i: (i, 0)),
            pl.BlockSpec((_NC, _R, _D), lambda i: (0, i, 0)),
            pl.BlockSpec((_NC, _R, 1), lambda i: (0, i, 0)),
            pl.BlockSpec((_D, _H), lambda i: (0, 0)),
            pl.BlockSpec((1, _H), lambda i: (0, 0)),
            pl.BlockSpec((1, _H), lambda i: (0, 0)),
            pl.BlockSpec((_H, _OUT), lambda i: (0, 0)),
            pl.BlockSpec((1, _OUT), lambda i: (0, 0)),
        ],
        out_specs=pl.BlockSpec((_R, _OUT), lambda i: (i, 0)),
        out_shape=jax.ShapeDtypeStruct((_N, _OUT), _F32),
    )(
        zself,
        agg_parts,
        deg_parts.reshape(_NC, _N, 1),
        w_comb,
        gamma.reshape(1, _H),
        beta.reshape(1, _H),
        w_out_m,
        (b_out.reshape(_HEADS, _OUT).mean(0)).reshape(1, _OUT),
    )
    return out

# --- scband reference (transcript-rebuilt; emitter-appended) ---
"""Pipeline reference for scband-base-hgt-13975823582062 (READ-ONLY COPY).

The authoritative reference and input builder live on the scoring server;
editing this copy changes nothing except your own understanding.
"""

import jax, jax.numpy as jnp
import numpy as np

N = 10000
E = 320000
D_IN = 128
H = 256
OUT = 128
HEADS = 4
ETYPES = 5


def setup_inputs(seed: int = 0) -> dict:
    key = jax.random.key(seed)
    ks = jax.random.split(key, 16)
    x = jax.random.normal(ks[0], (N, D_IN), dtype=jnp.float32)
    edge_index = jax.random.randint(ks[1], (2, E), 0, N, dtype=jnp.int32)
    ntype = jnp.zeros((N,), dtype=jnp.int32)
    etype = jax.random.randint(ks[2], (E,), 0, ETYPES, dtype=jnp.int32)
    # i2h: per-node-type input projection (single node type here)
    W_i2h = jax.random.normal(ks[3], (D_IN, H), dtype=jnp.float32) * (1.0 / np.sqrt(D_IN))
    b_i2h = jnp.zeros((H,), dtype=jnp.float32)
    # hidden HGT-style relational conv: per-edge-type scalar relation gate
    rel_scale = jax.random.normal(ks[4], (ETYPES,), dtype=jnp.float32) * 0.1 + 1.0
    W_self = jax.random.normal(ks[5], (H, H), dtype=jnp.float32) * (1.0 / np.sqrt(H))
    W_neigh = jax.random.normal(ks[6], (H, H), dtype=jnp.float32) * (1.0 / np.sqrt(H))
    b_h = jnp.zeros((H,), dtype=jnp.float32)
    gamma = jnp.ones((H,), dtype=jnp.float32)
    beta = jnp.zeros((H,), dtype=jnp.float32)
    # output layer produces HEADS*OUT, forward reshapes to (N, HEADS, OUT) and means over heads
    W_out = jax.random.normal(ks[7], (H, HEADS * OUT), dtype=jnp.float32) * (1.0 / np.sqrt(H))
    b_out = jnp.zeros((HEADS * OUT,), dtype=jnp.float32)
    return {
        "x": x, "edge_index": edge_index, "ntype": ntype, "etype": etype,
        "W_i2h": W_i2h, "b_i2h": b_i2h, "rel_scale": rel_scale,
        "W_self": W_self, "W_neigh": W_neigh, "b_h": b_h,
        "gamma": gamma, "beta": beta, "W_out": W_out, "b_out": b_out,
    }


def reference(x, edge_index, ntype, etype, W_i2h, b_i2h, rel_scale, W_self, W_neigh, b_h, gamma, beta, W_out, b_out):
    n = x.shape[0]
    # i2h per node type (one type -> one linear), then cat (trivial cat for 1 type)
    h = x @ W_i2h + b_i2h
    # one hidden heterogeneous message-passing layer
    src = edge_index[0]
    dst = edge_index[1]
    m = h[src] * rel_scale[etype][:, None]
    agg = jax.ops.segment_sum(m, dst, num_segments=n)
    deg = jax.ops.segment_sum(jnp.ones((m.shape[0],), dtype=jnp.float32), dst, num_segments=n)
    agg = agg / jnp.maximum(deg, 1.0)[:, None]
    h = jax.nn.relu(h @ W_self + agg @ W_neigh + b_h)
    # layer norm (layer_norm=True)
    mu = h.mean(axis=-1, keepdims=True)
    var = h.var(axis=-1, keepdims=True)
    h = (h - mu) / jnp.sqrt(var + 1e-5) * gamma + beta
    # output layer + reshape/mean/normalize as in forward
    h = h @ W_out + b_out
    h = h.reshape(ntype.shape[0], -1, OUT)
    h = h.mean(axis=1)
    nrm = jnp.linalg.norm(h, axis=1, keepdims=True)
    h = h / jnp.maximum(nrm, 1e-12)
    return h

if __name__ == "__main__":
    import jax
    _d = setup_inputs()
    print(jax.jit(kernel)(*tuple(_d.values())))

</pallas_src>

<mosaic_0001>
#map = affine_map<(d0, d1) -> (0, 0)>
#map1 = affine_map<(d0, d1) -> (0)>
#map2 = affine_map<(d0, d1) -> (0, 0, 0)>
module attributes {stable_mosaic.version = 14 : i64} {
  func.func @_sc_agg_body(%arg0: i32, %arg1: i32, %arg2: memref<50000x128xf32, #tpu.memory_space<hbm>>, %arg3: memref<320000xi32, #tpu.memory_space<hbm>>, %arg4: memref<320000xi32, #tpu.memory_space<hbm>>, %arg5: memref<2x10000x128xf32, #tpu.memory_space<hbm>>, %arg6: memref<20000xf32, #tpu.memory_space<hbm>>, %arg7: memref<2x128xi32, #tpu.memory_space<vmem>>, %arg8: memref<2x128xi32, #tpu.memory_space<vmem>>, %arg9: memref<2x128x128xf32, #tpu.memory_space<vmem>>, %arg10: memref<128xf32, #tpu.memory_space<vmem>>, %arg11: memref<1000xf32, #tpu.memory_space<vmem>>, %arg12: memref<10000x128xf32, #tpu.memory_space<vmem_shared>>, %arg13: memref<10000xf32, #tpu.memory_space<vmem_shared>>, %arg14: memref<!tpu.dma_semaphore, #tpu.memory_space<semaphore_mem>>, %arg15: memref<!tpu.dma_semaphore, #tpu.memory_space<semaphore_mem>>, %arg16: memref<!tpu.dma_semaphore, #tpu.memory_space<semaphore_mem>>, %arg17: memref<!tpu.dma_semaphore, #tpu.memory_space<semaphore_mem>>) attributes {dimension_semantics = [#tpu.dimension_semantics<core_parallel>, #tpu.dimension_semantics<subcore_parallel>], iteration_bounds = array<i64: 2, 16>, scalar_prefetch = 0 : i64, scratch_operands = 11 : i64, tpu.core_type = #tpu.core_type<sc_vector_subcore>, window_params = [{transform_indices = #map}, {transform_indices = #map1}, {transform_indices = #map1}, {transform_indices = #map2}, {transform_indices = #map1}]} {
    %mul3A = arith.constant 16 : i32
    %mul3A_0 = arith.muli %arg0, %mul3A : i32
    %add3A = arith.addi %mul3A_0, %arg1 : i32
    %broadcast_in_dim3A = arith.constant 0.000000e+00 : f32
    %broadcast_in_dim3A_1 = vector.broadcast %broadcast_in_dim3A : f32 to vector<16xf32>
    %broadcast_in_dim3A_2 = arith.constant 1.000000e+00 : f32
    %broadcast_in_dim3A_3 = vector.broadcast %broadcast_in_dim3A_2 : f32 to vector<16xf32>
    %scan3A = arith.constant 0 : i32
    %scan3A_4 = arith.constant 0 : i32
    %scan3A_5 = arith.constant 128 : i32
    %scan3A_6 = arith.addi %scan3A_4, %scan3A_5 : i32
    %scan3A_7 = arith.constant 1 : i32
    scf.for %scan3A_287 = %scan3A_4 to %scan3A_6 step %scan3A_7  : i32 {
      %swap3A_288 = arith.constant 0 : i32
      %swap3A_289 = arith.index_cast %swap3A_288 : i32 to index
      %swap3A_290 = arith.index_cast %scan3A_287 : i32 to index
      %swap3A_291 = arith.constant 0 : index
      %swap3A_292 = tpu.vector_load %arg9[%swap3A_289, %swap3A_290, %swap3A_291] {strides = array<i32>} : memref<2x128x128xf32, #tpu.memory_space<vmem>>, vector<1x1x16xf32>,
      %swap3A_293 = vector.shape_cast %swap3A_292 : vector<1x1x16xf32> to vector<16xf32>
      %swap3A_294 = vector.shape_cast %broadcast_in_dim3A_1 : vector<16xf32> to vector<1x1x16xf32>
      tpu.vector_store %arg9[%swap3A_289, %swap3A_290, %swap3A_291], %swap3A_294 {strides = array<i32>} : memref<2x128x128xf32, #tpu.memory_space<vmem>>, vector<1x1x16xf32>,
      %swap3A_295 = arith.constant 0 : i32
      %swap3A_296 = arith.index_cast %swap3A_295 : i32 to index
      %swap3A_297 = arith.index_cast %scan3A_287 : i32 to index
      %swap3A_298 = arith.constant 16 : index
      %swap3A_299 = tpu.vector_load %arg9[%swap3A_296, %swap3A_297, %swap3A_298] {strides = array<i32>} : memref<2x128x128xf32, #tpu.memory_space<vmem>>, vector<1x1x16xf32>,
      %swap3A_300 = vector.shape_cast %swap3A_299 : vector<1x1x16xf32> to vector<16xf32>
      %swap3A_301 = vector.shape_cast %broadcast_in_dim3A_1 : vector<16xf32> to vector<1x1x16xf32>
      tpu.vector_store %arg9[%swap3A_296, %swap3A_297, %swap3A_298], %swap3A_301 {strides = array<i32>} : memref<2x128x128xf32, #tpu.memory_space<vmem>>, vector<1x1x16xf32>,
      %swap3A_302 = arith.constant 0 : i32
      %swap3A_303 = arith.index_cast %swap3A_302 : i32 to index
      %swap3A_304 = arith.index_cast %scan3A_287 : i32 to index
      %swap3A_305 = arith.constant 32 : index
      %swap3A_306 = tpu.vector_load %arg9[%swap3A_303, %swap3A_304, %swap3A_305] {strides = array<i32>} : memref<2x128x128xf32, #tpu.memory_space<vmem>>, vector<1x1x16xf32>,
      %swap3A_307 = vector.shape_cast %swap3A_306 : vector<1x1x16xf32> to vector<16xf32>
      %swap3A_308 = vector.shape_cast %broadcast_in_dim3A_1 : vector<16xf32> to vector<1x1x16xf32>
      tpu.vector_store %arg9[%swap3A_303, %swap3A_304, %swap3A_305], %swap3A_308 {strides = array<i32>} : memref<2x128x128xf32, #tpu.memory_space<vmem>>, vector<1x1x16xf32>,
      %swap3A_309 = arith.constant 0 : i32
      %swap3A_310 = arith.index_cast %swap3A_309 : i32 to index
      %swap3A_311 = arith.index_cast %scan3A_287 : i32 to index
      %swap3A_312 = arith.constant 48 : index
      %swap3A_313 = tpu.vector_load %arg9[%swap3A_310, %swap3A_311, %swap3A_312] {strides = array<i32>} : memref<2x128x128xf32, #tpu.memory_space<vmem>>, vector<1x1x16xf32>,
      %swap3A_314 = vector.shape_cast %swap3A_313 : vector<1x1x16xf32> to vector<16xf32>
      %swap3A_315 = vector.shape_cast %broadcast_in_dim3A_1 : vector<16xf32> to vector<1x1x16xf32>
      tpu.vector_store %arg9[%swap3A_310, %swap3A_311, %swap3A_312], %swap3A_315 {strides = array<i32>} : memref<2x128x128xf32, #tpu.memory_space<vmem>>, vector<1x1x16xf32>,
      %swap3A_316 = arith.constant 0 : i32
      %swap3A_317 = arith.index_cast %swap3A_316 : i32 to index
      %swap3A_318 = arith.index_cast %scan3A_287 : i32 to index
      %swap3A_319 = arith.constant 64 : index
      %swap3A_320 = tpu.vector_load %arg9[%swap3A_317, %swap3A_318, %swap3A_319] {strides = array<i32>} : memref<2x128x128xf32, #tpu.memory_space<vmem>>, vector<1x1x16xf32>,
      %swap3A_321 = vector.shape_cast %swap3A_320 : vector<1x1x16xf32> to vector<16xf32>
      %swap3A_322 = vector.shape_cast %broadcast_in_dim3A_1 : vector<16xf32> to vector<1x1x16xf32>
      tpu.vector_store %arg9[%swap3A_317, %swap3A_318, %swap3A_319], %swap3A_322 {strides = array<i32>} : memref<2x128x128xf32, #tpu.memory_space<vmem>>, vector<1x1x16xf32>,
      %swap3A_323 = arith.constant 0 : i32
      %swap3A_324 = arith.index_cast %swap3A_323 : i32 to index
      %swap3A_325 = arith.index_cast %scan3A_287 : i32 to index
      %swap3A_326 = arith.constant 80 : index
      %swap3A_327 = tpu.vector_load %arg9[%swap3A_324, %swap3A_325, %swap3A_326] {strides = array<i32>} : memref<2x128x128xf32, #tpu.memory_space<vmem>>, vector<1x1x16xf32>,
      %swap3A_328 = vector.shape_cast %swap3A_327 : vector<1x1x16xf32> to vector<16xf32>
      %swap3A_329 = vector.shape_cast %broadcast_in_dim3A_1 : vector<16xf32> to vector<1x1x16xf32>
      tpu.vector_store %arg9[%swap3A_324, %swap3A_325, %swap3A_326], %swap3A_329 {strides = array<i32>} : memref<2x128x128xf32, #tpu.memory_space<vmem>>, vector<1x1x16xf32>,
      %swap3A_330 = arith.constant 0 : i32
      %swap3A_331 = arith.index_cast %swap3A_330 : i32 to index
      %swap3A_332 = arith.index_cast %scan3A_287 : i32 to index
      %swap3A_333 = arith.constant 96 : index
      %swap3A_334 = tpu.vector_load %arg9[%swap3A_331, %swap3A_332, %swap3A_333] {strides = array<i32>} : memref<2x128x128xf32, #tpu.memory_space<vmem>>, vector<1x1x16xf32>,
      %swap3A_335 = vector.shape_cast %swap3A_334 : vector<1x1x16xf32> to vector<16xf32>
      %swap3A_336 = vector.shape_cast %broadcast_in_dim3A_1 : vector<16xf32> to vector<1x1x16xf32>
      tpu.vector_store %arg9[%swap3A_331, %swap3A_332, %swap3A_333], %swap3A_336 {strides = array<i32>} : memref<2x128x128xf32, #tpu.memory_space<vmem>>, vector<1x1x16xf32>,
      %swap3A_337 = arith.constant 0 : i32
      %swap3A_338 = arith.index_cast %swap3A_337 : i32 to index
      %swap3A_339 = arith.index_cast %scan3A_287 : i32 to index
      %swap3A_340 = arith.constant 112 : index
      %swap3A_341 = tpu.vector_load %arg9[%swap3A_338, %swap3A_339, %swap3A_340] {strides = array<i32>} : memref<2x128x128xf32, #tpu.memory_space<vmem>>, vector<1x1x16xf32>,
      %swap3A_342 = vector.shape_cast %swap3A_341 : vector<1x1x16xf32> to vector<16xf32>
      %swap3A_343 = vector.shape_cast %broadcast_in_dim3A_1 : vector<16xf32> to vector<1x1x16xf32>
      tpu.vector_store %arg9[%swap3A_338, %swap3A_339, %swap3A_340], %swap3A_343 {strides = array<i32>} : memref<2x128x128xf32, #tpu.memory_space<vmem>>, vector<1x1x16xf32>,
    }
    %scan3A_8 = arith.constant 128 : i32
    %scan3A_9 = arith.constant 0 : i32
    %scan3A_10 = arith.constant 0 : i32
    %scan3A_11 = arith.constant 62 : i32
    %scan3A_12 = arith.addi %scan3A_10, %scan3A_11 : i32
    %scan3A_13 = arith.constant 1 : i32
    scf.for %scan3A_287 = %scan3A_10 to %scan3A_12 step %scan3A_13  : i32 {
      %mul3A_288 = arith.constant 16 : i32
      %mul3A_289 = arith.muli %scan3A_287, %mul3A_288 : i32
      %swap3A_290 = arith.index_cast %mul3A_289 : i32 to index
      %swap3A_291 = tpu.vector_load %arg11[%swap3A_290] {strides = array<i32>} : memref<1000xf32, #tpu.memory_space<vmem>>, vector<16xf32>,
      %swap3A_292 = vector.shape_cast %swap3A_291 : vector<16xf32> to vector<16xf32>
      %swap3A_293 = vector.shape_cast %broadcast_in_dim3A_1 : vector<16xf32> to vector<16xf32>
      tpu.vector_store %arg11[%swap3A_290], %swap3A_293 {strides = array<i32>} : memref<1000xf32, #tpu.memory_space<vmem>>, vector<16xf32>,
    }
    %scan3A_14 = arith.constant 62 : i32
    %swap3A = arith.constant 984 : index
    %swap3A_15 = tpu.vector_load %arg11[%swap3A] {strides = array<i32>} : memref<1000xf32, #tpu.memory_space<vmem>>, vector<16xf32>,
    %swap3A_16 = vector.shape_cast %swap3A_15 : vector<16xf32> to vector<16xf32>
    %swap3A_17 = vector.shape_cast %broadcast_in_dim3A_1 : vector<16xf32> to vector<16xf32>
    tpu.vector_store %arg11[%swap3A], %swap3A_17 {strides = array<i32>} : memref<1000xf32, #tpu.memory_space<vmem>>, vector<16xf32>,
    %scan3A_18 = arith.constant 0 : i32
    %scan3A_19 = arith.constant 0 : i32
    %scan3A_20 = arith.constant 8 : i32
    %scan3A_21 = arith.addi %scan3A_19, %scan3A_20 : i32
    %scan3A_22 = arith.constant 1 : i32
    scf.for %scan3A_287 = %scan3A_19 to %scan3A_21 step %scan3A_22  : i32 {
      %mul3A_288 = arith.constant 16 : i32
      %mul3A_289 = arith.muli %scan3A_287, %mul3A_288 : i32
      %swap3A_290 = arith.index_cast %mul3A_289 : i32 to index
      %swap3A_291 = tpu.vector_load %arg10[%swap3A_290] {strides = array<i32>} : memref<128xf32, #tpu.memory_space<vmem>>, vector<16xf32>,
      %swap3A_292 = vector.shape_cast %swap3A_291 : vector<16xf32> to vector<16xf32>
      %swap3A_293 = vector.shape_cast %broadcast_in_dim3A_3 : vector<16xf32> to vector<16xf32>
      tpu.vector_store %arg10[%swap3A_290], %swap3A_293 {strides = array<i32>} : memref<128xf32, #tpu.memory_space<vmem>>, vector<16xf32>,
    }
    %scan3A_23 = arith.constant 8 : i32
    %mul3A_24 = arith.constant 624 : i32
    %mul3A_25 = arith.muli %arg1, %mul3A_24 : i32
    %add3A_26 = arith.constant 0 : i32
    %add3A_27 = arith.addi %mul3A_25, %add3A_26 : i32
    %run_scoped3A = arith.constant 0 : i32
    "tpu.region"() ({
      %run_scoped3A_287 = tpu.sem_alloc : memref<!tpu.dma_semaphore, #tpu.memory_space<semaphore_mem>>
      %dma_start3A_288 = arith.constant 0 : i32
      %dma_start3A_289 = arith.constant 0 : i32
      %dma_start3A_290 = tpu.memref_slice %arg9[%run_scoped3A, %dma_start3A_288, %dma_start3A_289] : memref<2x128x128xf32, #tpu.memory_space<vmem>> -> memref<1x128x128xf32, #tpu.memory_space<vmem>>
      %dma_start3A_291 = tpu.memref_squeeze %dma_start3A_290 : memref<1x128x128xf32, #tpu.memory_space<vmem>> -> memref<128x128xf32, #tpu.memory_space<vmem>>
      %dma_start3A_292 = arith.constant 0 : i32
      %dma_start3A_293 = tpu.memref_slice %arg12[%add3A_27, %dma_start3A_292] : memref<10000x128xf32, #tpu.memory_space<vmem_shared>> -> memref<128x128xf32, #tpu.memory_space<vmem_shared>>
      %dma_start3A_294 = arith.constant 0 : i32
      %dma_start3A_295 = tpu.memref_slice %arg12[%add3A_27, %dma_start3A_294] : memref<10000x128xf32, #tpu.memory_space<vmem_shared>> -> memref<128x128xf32, #tpu.memory_space<vmem_shared>>
      %dma_start3A_296 = arith.constant 0 : i32
      %dma_start3A_297 = arith.constant 0 : i32
      %dma_start3A_298 = tpu.memref_slice %arg9[%run_scoped3A, %dma_start3A_296, %dma_start3A_297] : memref<2x128x128xf32, #tpu.memory_space<vmem>> -> memref<1x128x128xf32, #tpu.memory_space<vmem>>
      %dma_start3A_299 = tpu.memref_squeeze %dma_start3A_298 : memref<1x128x128xf32, #tpu.memory_space<vmem>> -> memref<128x128xf32, #tpu.memory_space<vmem>>
      tpu.enqueue_dma source(%dma_start3A_299 : memref<128x128xf32, #tpu.memory_space<vmem>>) target(%dma_start3A_295 : memref<128x128xf32, #tpu.memory_space<vmem_shared>>) target_semaphore(%run_scoped3A_287 : memref<!tpu.dma_semaphore, #tpu.memory_space<semaphore_mem>>)
      %dma_wait3A_300 = arith.constant 0 : i32
      %dma_wait3A_301 = arith.constant 0 : i32
      %dma_wait3A_302 = tpu.memref_slice %arg9[%run_scoped3A, %dma_wait3A_300, %dma_wait3A_301] : memref<2x128x128xf32, #tpu.memory_space<vmem>> -> memref<1x128x128xf32, #tpu.memory_space<vmem>>
      %dma_wait3A_303 = tpu.memref_squeeze %dma_wait3A_302 : memref<1x128x128xf32, #tpu.memory_space<vmem>> -> memref<128x128xf32, #tpu.memory_space<vmem>>
      %dma_wait3A_304 = arith.constant 0 : i32
      %dma_wait3A_305 = tpu.memref_slice %arg12[%add3A_27, %dma_wait3A_304] : memref<10000x128xf32, #tpu.memory_space<vmem_shared>> -> memref<128x128xf32, #tpu.memory_space<vmem_shared>>
      %dma_wait3A_306 = arith.constant 0 : i32
      %dma_wait3A_307 = tpu.memref_slice %arg12[%add3A_27, %dma_wait3A_306] : memref<10000x128xf32, #tpu.memory_space<vmem_shared>> -> memref<128x128xf32, #tpu.memory_space<vmem_shared>>
      %dma_wait3A_308 = arith.constant 0 : i32
      %dma_wait3A_309 = arith.constant 0 : i32
      %dma_wait3A_310 = tpu.memref_slice %arg9[%run_scoped3A, %dma_wait3A_308, %dma_wait3A_309] : memref<2x128x128xf32, #tpu.memory_space<vmem>> -> memref<1x128x128xf32, #tpu.memory_space<vmem>>
      %dma_wait3A_311 = tpu.memref_squeeze %dma_wait3A_310 : memref<1x128x128xf32, #tpu.memory_space<vmem>> -> memref<128x128xf32, #tpu.memory_space<vmem>>
      tpu.wait_dma2 semaphore(%run_scoped3A_287 : memref<!tpu.dma_semaphore, #tpu.memory_space<semaphore_mem>>) src(%dma_wait3A_311 : memref<128x128xf32, #tpu.memory_space<vmem>>) dst(%dma_wait3A_307 : memref<128x128xf32, #tpu.memory_space<vmem_shared>>)
      tpu.yield
    }) : () -> ()
    %add3A_28 = arith.constant 128 : i32
    %add3A_29 = arith.addi %mul3A_25, %add3A_28 : i32
    %run_scoped3A_30 = arith.constant 0 : i32
    "tpu.region"() ({
      %run_scoped3A_287 = tpu.sem_alloc : memref<!tpu.dma_semaphore, #tpu.memory_space<semaphore_mem>>
      %dma_start3A_288 = arith.constant 0 : i32
      %dma_start3A_289 = arith.constant 0 : i32
      %dma_start3A_290 = tpu.memref_slice %arg9[%run_scoped3A_30, %dma_start3A_288, %dma_start3A_289] : memref<2x128x128xf32, #tpu.memory_space<vmem>> -> memref<1x128x128xf32, #tpu.memory_space<vmem>>
      %dma_start3A_291 = tpu.memref_squeeze %dma_start3A_290 : memref<1x128x128xf32, #tpu.memory_space<vmem>> -> memref<128x128xf32, #tpu.memory_space<vmem>>
      %dma_start3A_292 = arith.constant 0 : i32
      %dma_start3A_293 = tpu.memref_slice %arg12[%add3A_29, %dma_start3A_292] : memref<10000x128xf32, #tpu.memory_space<vmem_shared>> -> memref<128x128xf32, #tpu.memory_space<vmem_shared>>
      %dma_start3A_294 = arith.constant 0 : i32
      %dma_start3A_295 = tpu.memref_slice %arg12[%add3A_29, %dma_start3A_294] : memref<10000x128xf32, #tpu.memory_space<vmem_shared>> -> memref<128x128xf32, #tpu.memory_space<vmem_shared>>
      %dma_start3A_296 = arith.constant 0 : i32
      %dma_start3A_297 = arith.constant 0 : i32
      %dma_start3A_298 = tpu.memref_slice %arg9[%run_scoped3A_30, %dma_start3A_296, %dma_start3A_297] : memref<2x128x128xf32, #tpu.memory_space<vmem>> -> memref<1x128x128xf32, #tpu.memory_space<vmem>>
      %dma_start3A_299 = tpu.memref_squeeze %dma_start3A_298 : memref<1x128x128xf32, #tpu.memory_space<vmem>> -> memref<128x128xf32, #tpu.memory_space<vmem>>
      tpu.enqueue_dma source(%dma_start3A_299 : memref<128x128xf32, #tpu.memory_space<vmem>>) target(%dma_start3A_295 : memref<128x128xf32, #tpu.memory_space<vmem_shared>>) target_semaphore(%run_scoped3A_287 : memref<!tpu.dma_semaphore, #tpu.memory_space<semaphore_mem>>)
      %dma_wait3A_300 = arith.constant 0 : i32
      %dma_wait3A_301 = arith.constant 0 : i32
      %dma_wait3A_302 = tpu.memref_slice %arg9[%run_scoped3A_30, %dma_wait3A_300, %dma_wait3A_301] : memref<2x128x128xf32, #tpu.memory_space<vmem>> -> memref<1x128x128xf32, #tpu.memory_space<vmem>>
      %dma_wait3A_303 = tpu.memref_squeeze %dma_wait3A_302 : memref<1x128x128xf32, #tpu.memory_space<vmem>> -> memref<128x128xf32, #tpu.memory_space<vmem>>
      %dma_wait3A_304 = arith.constant 0 : i32
      %dma_wait3A_305 = tpu.memref_slice %arg12[%add3A_29, %dma_wait3A_304] : memref<10000x128xf32, #tpu.memory_space<vmem_shared>> -> memref<128x128xf32, #tpu.memory_space<vmem_shared>>
      %dma_wait3A_306 = arith.constant 0 : i32
      %dma_wait3A_307 = tpu.memref_slice %arg12[%add3A_29, %dma_wait3A_306] : memref<10000x128xf32, #tpu.memory_space<vmem_shared>> -> memref<128x128xf32, #tpu.memory_space<vmem_shared>>
      %dma_wait3A_308 = arith.constant 0 : i32
      %dma_wait3A_309 = arith.constant 0 : i32
      %dma_wait3A_310 = tpu.memref_slice %arg9[%run_scoped3A_30, %dma_wait3A_308, %dma_wait3A_309] : memref<2x128x128xf32, #tpu.memory_space<vmem>> -> memref<1x128x128xf32, #tpu.memory_space<vmem>>
      %dma_wait3A_311 = tpu.memref_squeeze %dma_wait3A_310 : memref<1x128x128xf32, #tpu.memory_space<vmem>> -> memref<128x128xf32, #tpu.memory_space<vmem>>
      tpu.wait_dma2 semaphore(%run_scoped3A_287 : memref<!tpu.dma_semaphore, #tpu.memory_space<semaphore_mem>>) src(%dma_wait3A_311 : memref<128x128xf32, #tpu.memory_space<vmem>>) dst(%dma_wait3A_307 : memref<128x128xf32, #tpu.memory_space<vmem_shared>>)
      tpu.yield
    }) : () -> ()
    %add3A_31 = arith.constant 256 : i32
    %add3A_32 = arith.addi %mul3A_25, %add3A_31 : i32
    %run_scoped3A_33 = arith.constant 0 : i32
    "tpu.region"() ({
      %run_scoped3A_287 = tpu.sem_alloc : memref<!tpu.dma_semaphore, #tpu.memory_space<semaphore_mem>>
      %dma_start3A_288 = arith.constant 0 : i32
      %dma_start3A_289 = arith.constant 0 : i32
      %dma_start3A_290 = tpu.memref_slice %arg9[%run_scoped3A_33, %dma_start3A_288, %dma_start3A_289] : memref<2x128x128xf32, #tpu.memory_space<vmem>> -> memref<1x128x128xf32, #tpu.memory_space<vmem>>
      %dma_start3A_291 = tpu.memref_squeeze %dma_start3A_290 : memref<1x128x128xf32, #tpu.memory_space<vmem>> -> memref<128x128xf32, #tpu.memory_space<vmem>>
      %dma_start3A_292 = arith.constant 0 : i32
      %dma_start3A_293 = tpu.memref_slice %arg12[%add3A_32, %dma_start3A_292] : memref<10000x128xf32, #tpu.memory_space<vmem_shared>> -> memref<128x128xf32, #tpu.memory_space<vmem_shared>>
      %dma_start3A_294 = arith.constant 0 : i32
      %dma_start3A_295 = tpu.memref_slice %arg12[%add3A_32, %dma_start3A_294] : memref<10000x128xf32, #tpu.memory_space<vmem_shared>> -> memref<128x128xf32, #tpu.memory_space<vmem_shared>>
      %dma_start3A_296 = arith.constant 0 : i32
      %dma_start3A_297 = arith.constant 0 : i32
      %dma_start3A_298 = tpu.memref_slice %arg9[%run_scoped3A_33, %dma_start3A_296, %dma_start3A_297] : memref<2x128x128xf32, #tpu.memory_space<vmem>> -> memref<1x128x128xf32, #tpu.memory_space<vmem>>
      %dma_start3A_299 = tpu.memref_squeeze %dma_start3A_298 : memref<1x128x128xf32, #tpu.memory_space<vmem>> -> memref<128x128xf32, #tpu.memory_space<vmem>>
      tpu.enqueue_dma source(%dma_start3A_299 : memref<128x128xf32, #tpu.memory_space<vmem>>) target(%dma_start3A_295 : memref<128x128xf32, #tpu.memory_space<vmem_shared>>) target_semaphore(%run_scoped3A_287 : memref<!tpu.dma_semaphore, #tpu.memory_space<semaphore_mem>>)
      %dma_wait3A_300 = arith.constant 0 : i32
      %dma_wait3A_301 = arith.constant 0 : i32
      %dma_wait3A_302 = tpu.memref_slice %arg9[%run_scoped3A_33, %dma_wait3A_300, %dma_wait3A_301] : memref<2x128x128xf32, #tpu.memory_space<vmem>> -> memref<1x128x128xf32, #tpu.memory_space<vmem>>
      %dma_wait3A_303 = tpu.memref_squeeze %dma_wait3A_302 : memref<1x128x128xf32, #tpu.memory_space<vmem>> -> memref<128x128xf32, #tpu.memory_space<vmem>>
      %dma_wait3A_304 = arith.constant 0 : i32
      %dma_wait3A_305 = tpu.memref_slice %arg12[%add3A_32, %dma_wait3A_304] : memref<10000x128xf32, #tpu.memory_space<vmem_shared>> -> memref<128x128xf32, #tpu.memory_space<vmem_shared>>
      %dma_wait3A_306 = arith.constant 0 : i32
      %dma_wait3A_307 = tpu.memref_slice %arg12[%add3A_32, %dma_wait3A_306] : memref<10000x128xf32, #tpu.memory_space<vmem_shared>> -> memref<128x128xf32, #tpu.memory_space<vmem_shared>>
      %dma_wait3A_308 = arith.constant 0 : i32
      %dma_wait3A_309 = arith.constant 0 : i32
      %dma_wait3A_310 = tpu.memref_slice %arg9[%run_scoped3A_33, %dma_wait3A_308, %dma_wait3A_309] : memref<2x128x128xf32, #tpu.memory_space<vmem>> -> memref<1x128x128xf32, #tpu.memory_space<vmem>>
      %dma_wait3A_311 = tpu.memref_squeeze %dma_wait3A_310 : memref<1x128x128xf32, #tpu.memory_space<vmem>> -> memref<128x128xf32, #tpu.memory_space<vmem>>
      tpu.wait_dma2 semaphore(%run_scoped3A_287 : memref<!tpu.dma_semaphore, #tpu.memory_space<semaphore_mem>>) src(%dma_wait3A_311 : memref<128x128xf32, #tpu.memory_space<vmem>>) dst(%dma_wait3A_307 : memref<128x128xf32, #tpu.memory_space<vmem_shared>>)
      tpu.yield
    }) : () -> ()
    %add3A_34 = arith.constant 384 : i32
    %add3A_35 = arith.addi %mul3A_25, %add3A_34 : i32
    %run_scoped3A_36 = arith.constant 0 : i32
    "tpu.region"() ({
      %run_scoped3A_287 = tpu.sem_alloc : memref<!tpu.dma_semaphore, #tpu.memory_space<semaphore_mem>>
      %dma_start3A_288 = arith.constant 0 : i32
      %dma_start3A_289 = arith.constant 0 : i32
      %dma_start3A_290 = tpu.memref_slice %arg9[%run_scoped3A_36, %dma_start3A_288, %dma_start3A_289] : memref<2x128x128xf32, #tpu.memory_space<vmem>> -> memref<1x128x128xf32, #tpu.memory_space<vmem>>
      %dma_start3A_291 = tpu.memref_squeeze %dma_start3A_290 : memref<1x128x128xf32, #tpu.memory_space<vmem>> -> memref<128x128xf32, #tpu.memory_space<vmem>>
      %dma_start3A_292 = arith.constant 0 : i32
      %dma_start3A_293 = tpu.memref_slice %arg12[%add3A_35, %dma_start3A_292] : memref<10000x128xf32, #tpu.memory_space<vmem_shared>> -> memref<128x128xf32, #tpu.memory_space<vmem_shared>>
      %dma_start3A_294 = arith.constant 0 : i32
      %dma_start3A_295 = tpu.memref_slice %arg12[%add3A_35, %dma_start3A_294] : memref<10000x128xf32, #tpu.memory_space<vmem_shared>> -> memref<128x128xf32, #tpu.memory_space<vmem_shared>>
      %dma_start3A_296 = arith.constant 0 : i32
      %dma_start3A_297 = arith.constant 0 : i32
      %dma_start3A_298 = tpu.memref_slice %arg9[%run_scoped3A_36, %dma_start3A_296, %dma_start3A_297] : memref<2x128x128xf32, #tpu.memory_space<vmem>> -> memref<1x128x128xf32, #tpu.memory_space<vmem>>
      %dma_start3A_299 = tpu.memref_squeeze %dma_start3A_298 : memref<1x128x128xf32, #tpu.memory_space<vmem>> -> memref<128x128xf32, #tpu.memory_space<vmem>>
      tpu.enqueue_dma source(%dma_start3A_299 : memref<128x128xf32, #tpu.memory_space<vmem>>) target(%dma_start3A_295 : memref<128x128xf32, #tpu.memory_space<vmem_shared>>) target_semaphore(%run_scoped3A_287 : memref<!tpu.dma_semaphore, #tpu.memory_space<semaphore_mem>>)
      %dma_wait3A_300 = arith.constant 0 : i32
      %dma_wait3A_301 = arith.constant 0 : i32
      %dma_wait3A_302 = tpu.memref_slice %arg9[%run_scoped3A_36, %dma_wait3A_300, %dma_wait3A_301] : memref<2x128x128xf32, #tpu.memory_space<vmem>> -> memref<1x128x128xf32, #tpu.memory_space<vmem>>
      %dma_wait3A_303 = tpu.memref_squeeze %dma_wait3A_302 : memref<1x128x128xf32, #tpu.memory_space<vmem>> -> memref<128x128xf32, #tpu.memory_space<vmem>>
      %dma_wait3A_304 = arith.constant 0 : i32
      %dma_wait3A_305 = tpu.memref_slice %arg12[%add3A_35, %dma_wait3A_304] : memref<10000x128xf32, #tpu.memory_space<vmem_shared>> -> memref<128x128xf32, #tpu.memory_space<vmem_shared>>
      %dma_wait3A_306 = arith.constant 0 : i32
      %dma_wait3A_307 = tpu.memref_slice %arg12[%add3A_35, %dma_wait3A_306] : memref<10000x128xf32, #tpu.memory_space<vmem_shared>> -> memref<128x128xf32, #tpu.memory_space<vmem_shared>>
      %dma_wait3A_308 = arith.constant 0 : i32
      %dma_wait3A_309 = arith.constant 0 : i32
      %dma_wait3A_310 = tpu.memref_slice %arg9[%run_scoped3A_36, %dma_wait3A_308, %dma_wait3A_309] : memref<2x128x128xf32, #tpu.memory_space<vmem>> -> memref<1x128x128xf32, #tpu.memory_space<vmem>>
      %dma_wait3A_311 = tpu.memref_squeeze %dma_wait3A_310 : memref<1x128x128xf32, #tpu.memory_space<vmem>> -> memref<128x128xf32, #tpu.memory_space<vmem>>
      tpu.wait_dma2 semaphore(%run_scoped3A_287 : memref<!tpu.dma_semaphore, #tpu.memory_space<semaphore_mem>>) src(%dma_wait3A_311 : memref<128x128xf32, #tpu.memory_space<vmem>>) dst(%dma_wait3A_307 : memref<128x128xf32, #tpu.memory_space<vmem_shared>>)
      tpu.yield
    }) : () -> ()
    %add3A_37 = arith.constant 624 : i32
    %add3A_38 = arith.addi %mul3A_25, %add3A_37 : i32
    %sub3A = arith.constant 112 : i32
    %sub3A_39 = arith.subi %add3A_38, %sub3A : i32
    %run_scoped3A_40 = arith.constant 0 : i32
    "tpu.region"() ({
      %run_scoped3A_287 = tpu.sem_alloc : memref<!tpu.dma_semaphore, #tpu.memory_space<semaphore_mem>>
      %dma_start3A_288 = arith.constant 0 : i32
      %dma_start3A_289 = arith.constant 0 : i32
      %dma_start3A_290 = tpu.memref_slice %arg9[%run_scoped3A_40, %dma_start3A_288, %dma_start3A_289] : memref<2x128x128xf32, #tpu.memory_space<vmem>> -> memref<1x112x128xf32, #tpu.memory_space<vmem>>
      %dma_start3A_291 = tpu.memref_squeeze %dma_start3A_290 : memref<1x112x128xf32, #tpu.memory_space<vmem>> -> memref<112x128xf32, #tpu.memory_space<vmem>>
      %dma_start3A_292 = arith.constant 0 : i32
      %dma_start3A_293 = tpu.memref_slice %arg12[%sub3A_39, %dma_start3A_292] : memref<10000x128xf32, #tpu.memory_space<vmem_shared>> -> memref<112x128xf32, #tpu.memory_space<vmem_shared>>
      %dma_start3A_294 = arith.constant 0 : i32
      %dma_start3A_295 = tpu.memref_slice %arg12[%sub3A_39, %dma_start3A_294] : memref<10000x128xf32, #tpu.memory_space<vmem_shared>> -> memref<112x128xf32, #tpu.memory_space<vmem_shared>>
      %dma_start3A_296 = arith.constant 0 : i32
      %dma_start3A_297 = arith.constant 0 : i32
      %dma_start3A_298 = tpu.memref_slice %arg9[%run_scoped3A_40, %dma_start3A_296, %dma_start3A_297] : memref<2x128x128xf32, #tpu.memory_space<vmem>> -> memref<1x112x128xf32, #tpu.memory_space<vmem>>
      %dma_start3A_299 = tpu.memref_squeeze %dma_start3A_298 : memref<1x112x128xf32, #tpu.memory_space<vmem>> -> memref<112x128xf32, #tpu.memory_space<vmem>>
      tpu.enqueue_dma source(%dma_start3A_299 : memref<112x128xf32, #tpu.memory_space<vmem>>) target(%dma_start3A_295 : memref<112x128xf32, #tpu.memory_space<vmem_shared>>) target_semaphore(%run_scoped3A_287 : memref<!tpu.dma_semaphore, #tpu.memory_space<semaphore_mem>>)
      %dma_wait3A_300 = arith.constant 0 : i32
      %dma_wait3A_301 = arith.constant 0 : i32
      %dma_wait3A_302 = tpu.memref_slice %arg9[%run_scoped3A_40, %dma_wait3A_300, %dma_wait3A_301] : memref<2x128x128xf32, #tpu.memory_space<vmem>> -> memref<1x112x128xf32, #tpu.memory_space<vmem>>
      %dma_wait3A_303 = tpu.memref_squeeze %dma_wait3A_302 : memref<1x112x128xf32, #tpu.memory_space<vmem>> -> memref<112x128xf32, #tpu.memory_space<vmem>>
      %dma_wait3A_304 = arith.constant 0 : i32
      %dma_wait3A_305 = tpu.memref_slice %arg12[%sub3A_39, %dma_wait3A_304] : memref<10000x128xf32, #tpu.memory_space<vmem_shared>> -> memref<112x128xf32, #tpu.memory_space<vmem_shared>>
      %dma_wait3A_306 = arith.constant 0 : i32
      %dma_wait3A_307 = tpu.memref_slice %arg12[%sub3A_39, %dma_wait3A_306] : memref<10000x128xf32, #tpu.memory_space<vmem_shared>> -> memref<112x128xf32, #tpu.memory_space<vmem_shared>>
      %dma_wait3A_308 = arith.constant 0 : i32
      %dma_wait3A_309 = arith.constant 0 : i32
      %dma_wait3A_310 = tpu.memref_slice %arg9[%run_scoped3A_40, %dma_wait3A_308, %dma_wait3A_309] : memref<2x128x128xf32, #tpu.memory_space<vmem>> -> memref<1x112x128xf32, #tpu.memory_space<vmem>>
      %dma_wait3A_311 = tpu.memref_squeeze %dma_wait3A_310 : memref<1x112x128xf32, #tpu.memory_space<vmem>> -> memref<112x128xf32, #tpu.memory_space<vmem>>
      tpu.wait_dma2 semaphore(%run_scoped3A_287 : memref<!tpu.dma_semaphore, #tpu.memory_space<semaphore_mem>>) src(%dma_wait3A_311 : memref<112x128xf32, #tpu.memory_space<vmem>>) dst(%dma_wait3A_307 : memref<112x128xf32, #tpu.memory_space<vmem_shared>>)
      tpu.yield
    }) : () -> ()
    %eq3A = arith.constant 0 : i32
    %eq3A_41 = arith.cmpi eq, %arg1, %eq3A : i32
    %convert_element_type3A = arith.extui %eq3A_41 : i1 to i32
    %cond3A = arith.constant 0 : i32
    %cond3A_42 = arith.cmpi ne, %convert_element_type3A, %cond3A : i32
    scf.if %cond3A_42 {
      %run_scoped3A_287 = arith.constant 0 : i32
      "tpu.region"() ({
        %run_scoped3A_288 = tpu.sem_alloc : memref<!tpu.dma_semaphore, #tpu.memory_space<semaphore_mem>>
        %dma_start3A_289 = arith.constant 0 : i32
        %dma_start3A_290 = arith.constant 0 : i32
        %dma_start3A_291 = tpu.memref_slice %arg9[%run_scoped3A_287, %dma_start3A_289, %dma_start3A_290] : memref<2x128x128xf32, #tpu.memory_space<vmem>> -> memref<1x16x128xf32, #tpu.memory_space<vmem>>
        %dma_start3A_292 = tpu.memref_squeeze %dma_start3A_291 : memref<1x16x128xf32, #tpu.memory_space<vmem>> -> memref<16x128xf32, #tpu.memory_space<vmem>>
        %dma_start3A_293 = arith.constant 9984 : i32
        %dma_start3A_294 = arith.constant 0 : i32
        %dma_start3A_295 = tpu.memref_slice %arg12[%dma_start3A_293, %dma_start3A_294] : memref<10000x128xf32, #tpu.memory_space<vmem_shared>> -> memref<16x128xf32, #tpu.memory_space<vmem_shared>>
        %dma_start3A_296 = arith.constant 9984 : i32
        %dma_start3A_297 = arith.constant 0 : i32
        %dma_start3A_298 = tpu.memref_slice %arg12[%dma_start3A_296, %dma_start3A_297] : memref<10000x128xf32, #tpu.memory_space<vmem_shared>> -> memref<16x128xf32, #tpu.memory_space<vmem_shared>>
        %dma_start3A_299 = arith.constant 0 : i32
        %dma_start3A_300 = arith.constant 0 : i32
        %dma_start3A_301 = tpu.memref_slice %arg9[%run_scoped3A_287, %dma_start3A_299, %dma_start3A_300] : memref<2x128x128xf32, #tpu.memory_space<vmem>> -> memref<1x16x128xf32, #tpu.memory_space<vmem>>
        %dma_start3A_302 = tpu.memref_squeeze %dma_start3A_301 : memref<1x16x128xf32, #tpu.memory_space<vmem>> -> memref<16x128xf32, #tpu.memory_space<vmem>>
        tpu.enqueue_dma source(%dma_start3A_302 : memref<16x128xf32, #tpu.memory_space<vmem>>) target(%dma_start3A_298 : memref<16x128xf32, #tpu.memory_space<vmem_shared>>) target_semaphore(%run_scoped3A_288 : memref<!tpu.dma_semaphore, #tpu.memory_space<semaphore_mem>>)
        %dma_wait3A_303 = arith.constant 0 : i32
        %dma_wait3A_304 = arith.constant 0 : i32
        %dma_wait3A_305 = tpu.memref_slice %arg9[%run_scoped3A_287, %dma_wait3A_303, %dma_wait3A_304] : memref<2x128x128xf32, #tpu.memory_space<vmem>> -> memref<1x16x128xf32, #tpu.memory_space<vmem>>
        %dma_wait3A_306 = tpu.memref_squeeze %dma_wait3A_305 : memref<1x16x128xf32, #tpu.memory_space<vmem>> -> memref<16x128xf32, #tpu.memory_space<vmem>>
        %dma_wait3A_307 = arith.constant 9984 : i32
        %dma_wait3A_308 = arith.constant 0 : i32
        %dma_wait3A_309 = tpu.memref_slice %arg12[%dma_wait3A_307, %dma_wait3A_308] : memref<10000x128xf32, #tpu.memory_space<vmem_shared>> -> memref<16x128xf32, #tpu.memory_space<vmem_shared>>
        %dma_wait3A_310 = arith.constant 9984 : i32
        %dma_wait3A_311 = arith.constant 0 : i32
        %dma_wait3A_312 = tpu.memref_slice %arg12[%dma_wait3A_310, %dma_wait3A_311] : memref<10000x128xf32, #tpu.memory_space<vmem_shared>> -> memref<16x128xf32, #tpu.memory_space<vmem_shared>>
        %dma_wait3A_313 = arith.constant 0 : i32
        %dma_wait3A_314 = arith.constant 0 : i32
        %dma_wait3A_315 = tpu.memref_slice %arg9[%run_scoped3A_287, %dma_wait3A_313, %dma_wait3A_314] : memref<2x128x128xf32, #tpu.memory_space<vmem>> -> memref<1x16x128xf32, #tpu.memory_space<vmem>>
        %dma_wait3A_316 = tpu.memref_squeeze %dma_wait3A_315 : memref<1x16x128xf32, #tpu.memory_space<vmem>> -> memref<16x128xf32, #tpu.memory_space<vmem>>
        tpu.wait_dma2 semaphore(%run_scoped3A_288 : memref<!tpu.dma_semaphore, #tpu.memory_space<semaphore_mem>>) src(%dma_wait3A_316 : memref<16x128xf32, #tpu.memory_space<vmem>>) dst(%dma_wait3A_312 : memref<16x128xf32, #tpu.memory_space<vmem_shared>>)
        tpu.yield
      }) : () -> ()
    } else {
    }
    %lt3A = arith.constant 10 : i32
    %lt3A_43 = arith.cmpi slt, %arg1, %lt3A : i32
    %convert_element_type3A_44 = arith.extui %lt3A_43 : i1 to i32
    %cond3A_45 = arith.constant 0 : i32
    %cond3A_46 = arith.cmpi ne, %convert_element_type3A_44, %cond3A_45 : i32
    scf.if %cond3A_46 {
      %mul3A_287 = arith.constant 1000 : i32
      %mul3A_288 = arith.muli %arg1, %mul3A_287 : i32
      "tpu.region"() ({
        %run_scoped3A_289 = tpu.sem_alloc : memref<!tpu.dma_semaphore, #tpu.memory_space<semaphore_mem>>
        %dma_start3A_290 = tpu.memref_slice %arg13[%mul3A_288] : memref<10000xf32, #tpu.memory_space<vmem_shared>> -> memref<1000xf32, #tpu.memory_space<vmem_shared>>
        %dma_start3A_291 = tpu.memref_slice %arg13[%mul3A_288] : memref<10000xf32, #tpu.memory_space<vmem_shared>> -> memref<1000xf32, #tpu.memory_space<vmem_shared>>
        tpu.enqueue_dma source(%arg11 : memref<1000xf32, #tpu.memory_space<vmem>>) target(%dma_start3A_291 : memref<1000xf32, #tpu.memory_space<vmem_shared>>) target_semaphore(%run_scoped3A_289 : memref<!tpu.dma_semaphore, #tpu.memory_space<semaphore_mem>>)
        %dma_wait3A_292 = tpu.memref_slice %arg13[%mul3A_288] : memref<10000xf32, #tpu.memory_space<vmem_shared>> -> memref<1000xf32, #tpu.memory_space<vmem_shared>>
        %dma_wait3A_293 = tpu.memref_slice %arg13[%mul3A_288] : memref<10000xf32, #tpu.memory_space<vmem_shared>> -> memref<1000xf32, #tpu.memory_space<vmem_shared>>
        tpu.wait_dma2 semaphore(%run_scoped3A_289 : memref<!tpu.dma_semaphore, #tpu.memory_space<semaphore_mem>>) src(%arg11 : memref<1000xf32, #tpu.memory_space<vmem>>) dst(%dma_wait3A_293 : memref<1000xf32, #tpu.memory_space<vmem_shared>>)
        tpu.yield
      }) : () -> ()
    } else {
    }
    %add3A_47 = arith.constant 0 : i32
    %add3A_48 = arith.addi %add3A_47, %add3A : i32
    %mul3A_49 = arith.constant 128 : i32
    %mul3A_50 = arith.muli %add3A_48, %mul3A_49 : i32
    %run_scoped3A_51 = arith.constant 0 : i32
    "tpu.region"() ({
      %run_scoped3A_287 = tpu.sem_alloc : memref<!tpu.dma_semaphore, #tpu.memory_space<semaphore_mem>>
      %dma_start3A_288 = arith.constant 0 : i32
      %dma_start3A_289 = tpu.memref_slice %arg7[%run_scoped3A_51, %dma_start3A_288] : memref<2x128xi32, #tpu.memory_space<vmem>> -> memref<1x128xi32, #tpu.memory_space<vmem>>
      %dma_start3A_290 = tpu.memref_squeeze %dma_start3A_289 : memref<1x128xi32, #tpu.memory_space<vmem>> -> memref<128xi32, #tpu.memory_space<vmem>>
      %dma_start3A_291 = tpu.memref_slice %arg3[%mul3A_50] : memref<320000xi32, #tpu.memory_space<hbm>> -> memref<128xi32, #tpu.memory_space<hbm>>
      %dma_start3A_292 = arith.constant 0 : i32
      %dma_start3A_293 = tpu.memref_slice %arg7[%run_scoped3A_51, %dma_start3A_292] : memref<2x128xi32, #tpu.memory_space<vmem>> -> memref<1x128xi32, #tpu.memory_space<vmem>>
      %dma_start3A_294 = tpu.memref_squeeze %dma_start3A_293 : memref<1x128xi32, #tpu.memory_space<vmem>> -> memref<128xi32, #tpu.memory_space<vmem>>
      %dma_start3A_295 = tpu.memref_slice %arg3[%mul3A_50] : memref<320000xi32, #tpu.memory_space<hbm>> -> memref<128xi32, #tpu.memory_space<hbm>>
      tpu.enqueue_dma source(%dma_start3A_295 : memref<128xi32, #tpu.memory_space<hbm>>) target(%dma_start3A_294 : memref<128xi32, #tpu.memory_space<vmem>>) target_semaphore(%run_scoped3A_287 : memref<!tpu.dma_semaphore, #tpu.memory_space<semaphore_mem>>)
      %dma_wait3A_296 = arith.constant 0 : i32
      %dma_wait3A_297 = tpu.memref_slice %arg7[%run_scoped3A_51, %dma_wait3A_296] : memref<2x128xi32, #tpu.memory_space<vmem>> -> memref<1x128xi32, #tpu.memory_space<vmem>>
      %dma_wait3A_298 = tpu.memref_squeeze %dma_wait3A_297 : memref<1x128xi32, #tpu.memory_space<vmem>> -> memref<128xi32, #tpu.memory_space<vmem>>
      %dma_wait3A_299 = tpu.memref_slice %arg3[%mul3A_50] : memref<320000xi32, #tpu.memory_space<hbm>> -> memref<128xi32, #tpu.memory_space<hbm>>
      %dma_wait3A_300 = arith.constant 0 : i32
      %dma_wait3A_301 = tpu.memref_slice %arg7[%run_scoped3A_51, %dma_wait3A_300] : memref<2x128xi32, #tpu.memory_space<vmem>> -> memref<1x128xi32, #tpu.memory_space<vmem>>
      %dma_wait3A_302 = tpu.memref_squeeze %dma_wait3A_301 : memref<1x128xi32, #tpu.memory_space<vmem>> -> memref<128xi32, #tpu.memory_space<vmem>>
      %dma_wait3A_303 = tpu.memref_slice %arg3[%mul3A_50] : memref<320000xi32, #tpu.memory_space<hbm>> -> memref<128xi32, #tpu.memory_space<hbm>>
      tpu.wait_dma2 semaphore(%run_scoped3A_287 : memref<!tpu.dma_semaphore, #tpu.memory_space<semaphore_mem>>) src(%dma_wait3A_303 : memref<128xi32, #tpu.memory_space<hbm>>) dst(%dma_wait3A_302 : memref<128xi32, #tpu.memory_space<vmem>>)
      tpu.yield
    }) : () -> ()
    %run_scoped3A_52 = arith.constant 0 : i32
    "tpu.region"() ({
      %run_scoped3A_287 = tpu.sem_alloc : memref<!tpu.dma_semaphore, #tpu.memory_space<semaphore_mem>>
      %dma_start3A_288 = arith.constant 0 : i32
      %dma_start3A_289 = tpu.memref_slice %arg8[%run_scoped3A_52, %dma_start3A_288] : memref<2x128xi32, #tpu.memory_space<vmem>> -> memref<1x128xi32, #tpu.memory_space<vmem>>
      %dma_start3A_290 = tpu.memref_squeeze %dma_start3A_289 : memref<1x128xi32, #tpu.memory_space<vmem>> -> memref<128xi32, #tpu.memory_space<vmem>>
      %dma_start3A_291 = tpu.memref_slice %arg4[%mul3A_50] : memref<320000xi32, #tpu.memory_space<hbm>> -> memref<128xi32, #tpu.memory_space<hbm>>
      %dma_start3A_292 = arith.constant 0 : i32
      %dma_start3A_293 = tpu.memref_slice %arg8[%run_scoped3A_52, %dma_start3A_292] : memref<2x128xi32, #tpu.memory_space<vmem>> -> memref<1x128xi32, #tpu.memory_space<vmem>>
      %dma_start3A_294 = tpu.memref_squeeze %dma_start3A_293 : memref<1x128xi32, #tpu.memory_space<vmem>> -> memref<128xi32, #tpu.memory_space<vmem>>
      %dma_start3A_295 = tpu.memref_slice %arg4[%mul3A_50] : memref<320000xi32, #tpu.memory_space<hbm>> -> memref<128xi32, #tpu.memory_space<hbm>>
      tpu.enqueue_dma source(%dma_start3A_295 : memref<128xi32, #tpu.memory_space<hbm>>) target(%dma_start3A_294 : memref<128xi32, #tpu.memory_space<vmem>>) target_semaphore(%run_scoped3A_287 : memref<!tpu.dma_semaphore, #tpu.memory_space<semaphore_mem>>)
      %dma_wait3A_296 = arith.constant 0 : i32
      %dma_wait3A_297 = tpu.memref_slice %arg8[%run_scoped3A_52, %dma_wait3A_296] : memref<2x128xi32, #tpu.memory_space<vmem>> -> memref<1x128xi32, #tpu.memory_space<vmem>>
      %dma_wait3A_298 = tpu.memref_squeeze %dma_wait3A_297 : memref<1x128xi32, #tpu.memory_space<vmem>> -> memref<128xi32, #tpu.memory_space<vmem>>
      %dma_wait3A_299 = tpu.memref_slice %arg4[%mul3A_50] : memref<320000xi32, #tpu.memory_space<hbm>> -> memref<128xi32, #tpu.memory_space<hbm>>
      %dma_wait3A_300 = arith.constant 0 : i32
      %dma_wait3A_301 = tpu.memref_slice %arg8[%run_scoped3A_52, %dma_wait3A_300] : memref<2x128xi32, #tpu.memory_space<vmem>> -> memref<1x128xi32, #tpu.memory_space<vmem>>
      %dma_wait3A_302 = tpu.memref_squeeze %dma_wait3A_301 : memref<1x128xi32, #tpu.memory_space<vmem>> -> memref<128xi32, #tpu.memory_space<vmem>>
      %dma_wait3A_303 = tpu.memref_slice %arg4[%mul3A_50] : memref<320000xi32, #tpu.memory_space<hbm>> -> memref<128xi32, #tpu.memory_space<hbm>>
      tpu.wait_dma2 semaphore(%run_scoped3A_287 : memref<!tpu.dma_semaphore, #tpu.memory_space<semaphore_mem>>) src(%dma_wait3A_303 : memref<128xi32, #tpu.memory_space<hbm>>) dst(%dma_wait3A_302 : memref<128xi32, #tpu.memory_space<vmem>>)
      tpu.yield
    }) : () -> ()
    %dma_start3A = arith.constant 0 : i32
    %dma_start3A_53 = arith.constant 0 : i32
    %dma_start3A_54 = arith.constant 0 : i32
    %dma_start3A_55 = arith.constant 0 : i32
    %dma_start3A_56 = tpu.memref_slice %arg9[%dma_start3A_53, %dma_start3A_54, %dma_start3A_55] : memref<2x128x128xf32, #tpu.memory_space<vmem>> -> memref<1x128x128xf32, #tpu.memory_space<vmem>>
    %dma_start3A_57 = tpu.memref_squeeze %dma_start3A_56 : memref<1x128x128xf32, #tpu.memory_space<vmem>> -> memref<128x128xf32, #tpu.memory_space<vmem>>
    %dma_start3A_58 = arith.constant 0 : i32
    %dma_start3A_59 = tpu.memref_slice %arg7[%dma_start3A, %dma_start3A_58] : memref<2x128xi32, #tpu.memory_space<vmem>> -> memref<1x128xi32, #tpu.memory_space<vmem>>
    %dma_start3A_60 = tpu.memref_squeeze %dma_start3A_59 : memref<1x128xi32, #tpu.memory_space<vmem>> -> memref<128xi32, #tpu.memory_space<vmem>>
    %dma_start3A_61 = arith.constant 0 : i32
    %dma_start3A_62 = arith.constant 0 : i32
    %dma_start3A_63 = tpu.memref_slice %arg2[%dma_start3A_61, %dma_start3A_62] : memref<50000x128xf32, #tpu.memory_space<hbm>> -> memref<50000x128xf32, #tpu.memory_space<hbm>>
    tpu.enqueue_indirect_dma source(%dma_start3A_63 : memref<50000x128xf32, #tpu.memory_space<hbm>>) target(%dma_start3A_57 : memref<128x128xf32, #tpu.memory_space<vmem>>) offsets(%dma_start3A_60 : memref<128xi32, #tpu.memory_space<vmem>>) semaphore(%arg14 : memref<!tpu.dma_semaphore, #tpu.memory_space<semaphore_mem>>)
    %barrier3A = arith.constant 0 : index
    tpu.barrier barrier_id(%barrier3A)
    %add3A_64 = arith.constant 32 : i32
    %add3A_65 = arith.addi %add3A_64, %add3A : i32
    %mul3A_66 = arith.constant 128 : i32
    %mul3A_67 = arith.muli %add3A_65, %mul3A_66 : i32
    %run_scoped3A_68 = arith.constant 1 : i32
    "tpu.region"() ({
      %run_scoped3A_287 = tpu.sem_alloc : memref<!tpu.dma_semaphore, #tpu.memory_space<semaphore_mem>>
      %dma_start3A_288 = arith.constant 0 : i32
      %dma_start3A_289 = tpu.memref_slice %arg7[%run_scoped3A_68, %dma_start3A_288] : memref<2x128xi32, #tpu.memory_space<vmem>> -> memref<1x128xi32, #tpu.memory_space<vmem>>
      %dma_start3A_290 = tpu.memref_squeeze %dma_start3A_289 : memref<1x128xi32, #tpu.memory_space<vmem>> -> memref<128xi32, #tpu.memory_space<vmem>>
      %dma_start3A_291 = tpu.memref_slice %arg3[%mul3A_67] : memref<320000xi32, #tpu.memory_space<hbm>> -> memref<128xi32, #tpu.memory_space<hbm>>
      %dma_start3A_292 = arith.constant 0 : i32
      %dma_start3A_293 = tpu.memref_slice %arg7[%run_scoped3A_68, %dma_start3A_292] : memref<2x128xi32, #tpu.memory_space<vmem>> -> memref<1x128xi32, #tpu.memory_space<vmem>>
      %dma_start3A_294 = tpu.memref_squeeze %dma_start3A_293 : memref<1x128xi32, #tpu.memory_space<vmem>> -> memref<128xi32, #tpu.memory_space<vmem>>
      %dma_start3A_295 = tpu.memref_slice %arg3[%mul3A_67] : memref<320000xi32, #tpu.memory_space<hbm>> -> memref<128xi32, #tpu.memory_space<hbm>>
      tpu.enqueue_dma source(%dma_start3A_295 : memref<128xi32, #tpu.memory_space<hbm>>) target(%dma_start3A_294 : memref<128xi32, #tpu.memory_space<vmem>>) target_semaphore(%run_scoped3A_287 : memref<!tpu.dma_semaphore, #tpu.memory_space<semaphore_mem>>)
      %dma_wait3A_296 = arith.constant 0 : i32
      %dma_wait3A_297 = tpu.memref_slice %arg7[%run_scoped3A_68, %dma_wait3A_296] : memref<2x128xi32, #tpu.memory_space<vmem>> -> memref<1x128xi32, #tpu.memory_space<vmem>>
      %dma_wait3A_298 = tpu.memref_squeeze %dma_wait3A_297 : memref<1x128xi32, #tpu.memory_space<vmem>> -> memref<128xi32, #tpu.memory_space<vmem>>
      %dma_wait3A_299 = tpu.memref_slice %arg3[%mul3A_67] : memref<320000xi32, #tpu.memory_space<hbm>> -> memref<128xi32, #tpu.memory_space<hbm>>
      %dma_wait3A_300 = arith.constant 0 : i32
      %dma_wait3A_301 = tpu.memref_slice %arg7[%run_scoped3A_68, %dma_wait3A_300] : memref<2x128xi32, #tpu.memory_space<vmem>> -> memref<1x128xi32, #tpu.memory_space<vmem>>
      %dma_wait3A_302 = tpu.memref_squeeze %dma_wait3A_301 : memref<1x128xi32, #tpu.memory_space<vmem>> -> memref<128xi32, #tpu.memory_space<vmem>>
      %dma_wait3A_303 = tpu.memref_slice %arg3[%mul3A_67] : memref<320000xi32, #tpu.memory_space<hbm>> -> memref<128xi32, #tpu.memory_space<hbm>>
      tpu.wait_dma2 semaphore(%run_scoped3A_287 : memref<!tpu.dma_semaphore, #tpu.memory_space<semaphore_mem>>) src(%dma_wait3A_303 : memref<128xi32, #tpu.memory_space<hbm>>) dst(%dma_wait3A_302 : memref<128xi32, #tpu.memory_space<vmem>>)
      tpu.yield
    }) : () -> ()
    %run_scoped3A_69 = arith.constant 1 : i32
    "tpu.region"() ({
      %run_scoped3A_287 = tpu.sem_alloc : memref<!tpu.dma_semaphore, #tpu.memory_space<semaphore_mem>>
      %dma_start3A_288 = arith.constant 0 : i32
      %dma_start3A_289 = tpu.memref_slice %arg8[%run_scoped3A_69, %dma_start3A_288] : memref<2x128xi32, #tpu.memory_space<vmem>> -> memref<1x128xi32, #tpu.memory_space<vmem>>
      %dma_start3A_290 = tpu.memref_squeeze %dma_start3A_289 : memref<1x128xi32, #tpu.memory_space<vmem>> -> memref<128xi32, #tpu.memory_space<vmem>>
      %dma_start3A_291 = tpu.memref_slice %arg4[%mul3A_67] : memref<320000xi32, #tpu.memory_space<hbm>> -> memref<128xi32, #tpu.memory_space<hbm>>
      %dma_start3A_292 = arith.constant 0 : i32
      %dma_start3A_293 = tpu.memref_slice %arg8[%run_scoped3A_69, %dma_start3A_292] : memref<2x128xi32, #tpu.memory_space<vmem>> -> memref<1x128xi32, #tpu.memory_space<vmem>>
      %dma_start3A_294 = tpu.memref_squeeze %dma_start3A_293 : memref<1x128xi32, #tpu.memory_space<vmem>> -> memref<128xi32, #tpu.memory_space<vmem>>
      %dma_start3A_295 = tpu.memref_slice %arg4[%mul3A_67] : memref<320000xi32, #tpu.memory_space<hbm>> -> memref<128xi32, #tpu.memory_space<hbm>>
      tpu.enqueue_dma source(%dma_start3A_295 : memref<128xi32, #tpu.memory_space<hbm>>) target(%dma_start3A_294 : memref<128xi32, #tpu.memory_space<vmem>>) target_semaphore(%run_scoped3A_287 : memref<!tpu.dma_semaphore, #tpu.memory_space<semaphore_mem>>)
      %dma_wait3A_296 = arith.constant 0 : i32
      %dma_wait3A_297 = tpu.memref_slice %arg8[%run_scoped3A_69, %dma_wait3A_296] : memref<2x128xi32, #tpu.memory_space<vmem>> -> memref<1x128xi32, #tpu.memory_space<vmem>>
      %dma_wait3A_298 = tpu.memref_squeeze %dma_wait3A_297 : memref<1x128xi32, #tpu.memory_space<vmem>> -> memref<128xi32, #tpu.memory_space<vmem>>
      %dma_wait3A_299 = tpu.memref_slice %arg4[%mul3A_67] : memref<320000xi32, #tpu.memory_space<hbm>> -> memref<128xi32, #tpu.memory_space<hbm>>
      %dma_wait3A_300 = arith.constant 0 : i32
      %dma_wait3A_301 = tpu.memref_slice %arg8[%run_scoped3A_69, %dma_wait3A_300] : memref<2x128xi32, #tpu.memory_space<vmem>> -> memref<1x128xi32, #tpu.memory_space<vmem>>
      %dma_wait3A_302 = tpu.memref_squeeze %dma_wait3A_301 : memref<1x128xi32, #tpu.memory_space<vmem>> -> memref<128xi32, #tpu.memory_space<vmem>>
      %dma_wait3A_303 = tpu.memref_slice %arg4[%mul3A_67] : memref<320000xi32, #tpu.memory_space<hbm>> -> memref<128xi32, #tpu.memory_space<hbm>>
      tpu.wait_dma2 semaphore(%run_scoped3A_287 : memref<!tpu.dma_semaphore, #tpu.memory_space<semaphore_mem>>) src(%dma_wait3A_303 : memref<128xi32, #tpu.memory_space<hbm>>) dst(%dma_wait3A_302 : memref<128xi32, #tpu.memory_space<vmem>>)
      tpu.yield
    }) : () -> ()
    %dma_start3A_70 = arith.constant 1 : i32
    %dma_start3A_71 = arith.constant 1 : i32
    %dma_start3A_72 = arith.constant 0 : i32
    %dma_start3A_73 = arith.constant 0 : i32
    %dma_start3A_74 = tpu.memref_slice %arg9[%dma_start3A_71, %dma_start3A_72, %dma_start3A_73] : memref<2x128x128xf32, #tpu.memory_space<vmem>> -> memref<1x128x128xf32, #tpu.memory_space<vmem>>
    %dma_start3A_75 = tpu.memref_squeeze %dma_start3A_74 : memref<1x128x128xf32, #tpu.memory_space<vmem>> -> memref<128x128xf32, #tpu.memory_space<vmem>>
    %dma_start3A_76 = arith.constant 0 : i32
    %dma_start3A_77 = tpu.memref_slice %arg7[%dma_start3A_70, %dma_start3A_76] : memref<2x128xi32, #tpu.memory_space<vmem>> -> memref<1x128xi32, #tpu.memory_space<vmem>>
    %dma_start3A_78 = tpu.memref_squeeze %dma_start3A_77 : memref<1x128xi32, #tpu.memory_space<vmem>> -> memref<128xi32, #tpu.memory_space<vmem>>
    %dma_start3A_79 = arith.constant 0 : i32
    %dma_start3A_80 = arith.constant 0 : i32
    %dma_start3A_81 = tpu.memref_slice %arg2[%dma_start3A_79, %dma_start3A_80] : memref<50000x128xf32, #tpu.memory_space<hbm>> -> memref<50000x128xf32, #tpu.memory_space<hbm>>
    tpu.enqueue_indirect_dma source(%dma_start3A_81 : memref<50000x128xf32, #tpu.memory_space<hbm>>) target(%dma_start3A_75 : memref<128x128xf32, #tpu.memory_space<vmem>>) offsets(%dma_start3A_78 : memref<128xi32, #tpu.memory_space<vmem>>) semaphore(%arg15 : memref<!tpu.dma_semaphore, #tpu.memory_space<semaphore_mem>>)
    %dma_wait3A = arith.constant 0 : i32
    %dma_wait3A_82 = arith.constant 0 : i32
    %dma_wait3A_83 = arith.constant 0 : i32
    %dma_wait3A_84 = arith.constant 0 : i32
    %dma_wait3A_85 = tpu.memref_slice %arg9[%dma_wait3A_82, %dma_wait3A_83, %dma_wait3A_84] : memref<2x128x128xf32, #tpu.memory_space<vmem>> -> memref<1x128x128xf32, #tpu.memory_space<vmem>>
    %dma_wait3A_86 = tpu.memref_squeeze %dma_wait3A_85 : memref<1x128x128xf32, #tpu.memory_space<vmem>> -> memref<128x128xf32, #tpu.memory_space<vmem>>
    %dma_wait3A_87 = arith.constant 0 : i32
    %dma_wait3A_88 = tpu.memref_slice %arg7[%dma_wait3A, %dma_wait3A_87] : memref<2x128xi32, #tpu.memory_space<vmem>> -> memref<1x128xi32, #tpu.memory_space<vmem>>
    %dma_wait3A_89 = tpu.memref_squeeze %dma_wait3A_88 : memref<1x128xi32, #tpu.memory_space<vmem>> -> memref<128xi32, #tpu.memory_space<vmem>>
    %dma_wait3A_90 = arith.constant 0 : i32
    %dma_wait3A_91 = arith.constant 0 : i32
    %dma_wait3A_92 = tpu.memref_slice %arg2[%dma_wait3A_90, %dma_wait3A_91] : memref<50000x128xf32, #tpu.memory_space<hbm>> -> memref<50000x128xf32, #tpu.memory_space<hbm>>
    tpu.wait_indirect_dma semaphore(%arg14 : memref<!tpu.dma_semaphore, #tpu.memory_space<semaphore_mem>>) src(%dma_wait3A_92 : memref<50000x128xf32, #tpu.memory_space<hbm>>) dst(%dma_wait3A_86 : memref<128x128xf32, #tpu.memory_space<vmem>>)
    %dma_start3A_93 = arith.constant 0 : i32
    %dma_start3A_94 = arith.constant 0 : i32
    %dma_start3A_95 = arith.constant 0 : i32
    %dma_start3A_96 = arith.constant 0 : i32
    %dma_start3A_97 = tpu.memref_slice %arg9[%dma_start3A_93, %dma_start3A_95, %dma_start3A_96] : memref<2x128x128xf32, #tpu.memory_space<vmem>> -> memref<1x128x128xf32, #tpu.memory_space<vmem>>
    %dma_start3A_98 = tpu.memref_squeeze %dma_start3A_97 : memref<1x128x128xf32, #tpu.memory_space<vmem>> -> memref<128x128xf32, #tpu.memory_space<vmem>>
    %dma_start3A_99 = arith.constant 0 : i32
    %dma_start3A_100 = tpu.memref_slice %arg8[%dma_start3A_94, %dma_start3A_99] : memref<2x128xi32, #tpu.memory_space<vmem>> -> memref<1x128xi32, #tpu.memory_space<vmem>>
    %dma_start3A_101 = tpu.memref_squeeze %dma_start3A_100 : memref<1x128xi32, #tpu.memory_space<vmem>> -> memref<128xi32, #tpu.memory_space<vmem>>
    %dma_start3A_102 = arith.constant 0 : i32
    %dma_start3A_103 = arith.constant 0 : i32
    %dma_start3A_104 = tpu.memref_slice %arg12[%dma_start3A_102, %dma_start3A_103] : memref<10000x128xf32, #tpu.memory_space<vmem_shared>> -> memref<10000x128xf32, #tpu.memory_space<vmem_shared>>
    tpu.enqueue_indirect_dma source(%dma_start3A_98 : memref<128x128xf32, #tpu.memory_space<vmem>>) target(%dma_start3A_104 : memref<10000x128xf32, #tpu.memory_space<vmem_shared>>) offsets(%dma_start3A_101 : memref<128xi32, #tpu.memory_space<vmem>>) semaphore(%arg16 : memref<!tpu.dma_semaphore, #tpu.memory_space<semaphore_mem>>) {add = true}
    %run_scoped3A_105 = arith.constant 0 : i32
    "tpu.region"() ({
      %run_scoped3A_287 = tpu.sem_alloc : memref<!tpu.dma_semaphore, #tpu.memory_space<semaphore_mem>>
      %dma_start3A_288 = arith.constant 0 : i32
      %dma_start3A_289 = tpu.memref_slice %arg8[%run_scoped3A_105, %dma_start3A_288] : memref<2x128xi32, #tpu.memory_space<vmem>> -> memref<1x128xi32, #tpu.memory_space<vmem>>
      %dma_start3A_290 = tpu.memref_squeeze %dma_start3A_289 : memref<1x128xi32, #tpu.memory_space<vmem>> -> memref<128xi32, #tpu.memory_space<vmem>>
      %dma_start3A_291 = arith.constant 0 : i32
      %dma_start3A_292 = tpu.memref_slice %arg13[%dma_start3A_291] : memref<10000xf32, #tpu.memory_space<vmem_shared>> -> memref<10000xf32, #tpu.memory_space<vmem_shared>>
      tpu.enqueue_indirect_dma source(%arg10 : memref<128xf32, #tpu.memory_space<vmem>>) target(%dma_start3A_292 : memref<10000xf32, #tpu.memory_space<vmem_shared>>) offsets(%dma_start3A_290 : memref<128xi32, #tpu.memory_space<vmem>>) semaphore(%run_scoped3A_287 : memref<!tpu.dma_semaphore, #tpu.memory_space<semaphore_mem>>) {add = true}
      %dma_wait3A_293 = arith.constant 0 : i32
      %dma_wait3A_294 = tpu.memref_slice %arg8[%run_scoped3A_105, %dma_wait3A_293] : memref<2x128xi32, #tpu.memory_space<vmem>> -> memref<1x128xi32, #tpu.memory_space<vmem>>
      %dma_wait3A_295 = tpu.memref_squeeze %dma_wait3A_294 : memref<1x128xi32, #tpu.memory_space<vmem>> -> memref<128xi32, #tpu.memory_space<vmem>>
      %dma_wait3A_296 = arith.constant 0 : i32
      %dma_wait3A_297 = tpu.memref_slice %arg13[%dma_wait3A_296] : memref<10000xf32, #tpu.memory_space<vmem_shared>> -> memref<10000xf32, #tpu.memory_space<vmem_shared>>
      tpu.wait_indirect_dma semaphore(%run_scoped3A_287 : memref<!tpu.dma_semaphore, #tpu.memory_space<semaphore_mem>>) src(%arg10 : memref<128xf32, #tpu.memory_space<vmem>>) dst(%dma_wait3A_297 : memref<10000xf32, #tpu.memory_space<vmem_shared>>)
      tpu.yield
    }) : () -> ()
    %dma_wait3A_106 = arith.constant 0 : i32
    %dma_wait3A_107 = arith.constant 0 : i32
    %dma_wait3A_108 = arith.constant 0 : i32
    %dma_wait3A_109 = arith.constant 0 : i32
    %dma_wait3A_110 = tpu.memref_slice %arg9[%dma_wait3A_106, %dma_wait3A_108, %dma_wait3A_109] : memref<2x128x128xf32, #tpu.memory_space<vmem>> -> memref<1x128x128xf32, #tpu.memory_space<vmem>>
    %dma_wait3A_111 = tpu.memref_squeeze %dma_wait3A_110 : memref<1x128x128xf32, #tpu.memory_space<vmem>> -> memref<128x128xf32, #tpu.memory_space<vmem>>
    %dma_wait3A_112 = arith.constant 0 : i32
    %dma_wait3A_113 = tpu.memref_slice %arg8[%dma_wait3A_107, %dma_wait3A_112] : memref<2x128xi32, #tpu.memory_space<vmem>> -> memref<1x128xi32, #tpu.memory_space<vmem>>
    %dma_wait3A_114 = tpu.memref_squeeze %dma_wait3A_113 : memref<1x128xi32, #tpu.memory_space<vmem>> -> memref<128xi32, #tpu.memory_space<vmem>>
    %dma_wait3A_115 = arith.constant 0 : i32
    %dma_wait3A_116 = arith.constant 0 : i32
    %dma_wait3A_117 = tpu.memref_slice %arg12[%dma_wait3A_115, %dma_wait3A_116] : memref<10000x128xf32, #tpu.memory_space<vmem_shared>> -> memref<10000x128xf32, #tpu.memory_space<vmem_shared>>
    tpu.wait_indirect_dma semaphore(%arg16 : memref<!tpu.dma_semaphore, #tpu.memory_space<semaphore_mem>>) src(%dma_wait3A_111 : memref<128x128xf32, #tpu.memory_space<vmem>>) dst(%dma_wait3A_117 : memref<10000x128xf32, #tpu.memory_space<vmem_shared>>)
    %add3A_118 = arith.constant 64 : i32
    %add3A_119 = arith.addi %add3A_118, %add3A : i32
    %mul3A_120 = arith.constant 128 : i32
    %mul3A_121 = arith.muli %add3A_119, %mul3A_120 : i32
    %run_scoped3A_122 = arith.constant 0 : i32
    "tpu.region"() ({
      %run_scoped3A_287 = tpu.sem_alloc : memref<!tpu.dma_semaphore, #tpu.memory_space<semaphore_mem>>
      %dma_start3A_288 = arith.constant 0 : i32
      %dma_start3A_289 = tpu.memref_slice %arg7[%run_scoped3A_122, %dma_start3A_288] : memref<2x128xi32, #tpu.memory_space<vmem>> -> memref<1x128xi32, #tpu.memory_space<vmem>>
      %dma_start3A_290 = tpu.memref_squeeze %dma_start3A_289 : memref<1x128xi32, #tpu.memory_space<vmem>> -> memref<128xi32, #tpu.memory_space<vmem>>
      %dma_start3A_291 = tpu.memref_slice %arg3[%mul3A_121] : memref<320000xi32, #tpu.memory_space<hbm>> -> memref<128xi32, #tpu.memory_space<hbm>>
      %dma_start3A_292 = arith.constant 0 : i32
      %dma_start3A_293 = tpu.memref_slice %arg7[%run_scoped3A_122, %dma_start3A_292] : memref<2x128xi32, #tpu.memory_space<vmem>> -> memref<1x128xi32, #tpu.memory_space<vmem>>
      %dma_start3A_294 = tpu.memref_squeeze %dma_start3A_293 : memref<1x128xi32, #tpu.memory_space<vmem>> -> memref<128xi32, #tpu.memory_space<vmem>>
      %dma_start3A_295 = tpu.memref_slice %arg3[%mul3A_121] : memref<320000xi32, #tpu.memory_space<hbm>> -> memref<128xi32, #tpu.memory_space<hbm>>
      tpu.enqueue_dma source(%dma_start3A_295 : memref<128xi32, #tpu.memory_space<hbm>>) target(%dma_start3A_294 : memref<128xi32, #tpu.memory_space<vmem>>) target_semaphore(%run_scoped3A_287 : memref<!tpu.dma_semaphore, #tpu.memory_space<semaphore_mem>>)
      %dma_wait3A_296 = arith.constant 0 : i32
      %dma_wait3A_297 = tpu.memref_slice %arg7[%run_scoped3A_122, %dma_wait3A_296] : memref<2x128xi32, #tpu.memory_space<vmem>> -> memref<1x128xi32, #tpu.memory_space<vmem>>
      %dma_wait3A_298 = tpu.memref_squeeze %dma_wait3A_297 : memref<1x128xi32, #tpu.memory_space<vmem>> -> memref<128xi32, #tpu.memory_space<vmem>>
      %dma_wait3A_299 = tpu.memref_slice %arg3[%mul3A_121] : memref<320000xi32, #tpu.memory_space<hbm>> -> memref<128xi32, #tpu.memory_space<hbm>>
      %dma_wait3A_300 = arith.constant 0 : i32
      %dma_wait3A_301 = tpu.memref_slice %arg7[%run_scoped3A_122, %dma_wait3A_300] : memref<2x128xi32, #tpu.memory_space<vmem>> -> memref<1x128xi32, #tpu.memory_space<vmem>>
      %dma_wait3A_302 = tpu.memref_squeeze %dma_wait3A_301 : memref<1x128xi32, #tpu.memory_space<vmem>> -> memref<128xi32, #tpu.memory_space<vmem>>
      %dma_wait3A_303 = tpu.memref_slice %arg3[%mul3A_121] : memref<320000xi32, #tpu.memory_space<hbm>> -> memref<128xi32, #tpu.memory_space<hbm>>
      tpu.wait_dma2 semaphore(%run_scoped3A_287 : memref<!tpu.dma_semaphore, #tpu.memory_space<semaphore_mem>>) src(%dma_wait3A_303 : memref<128xi32, #tpu.memory_space<hbm>>) dst(%dma_wait3A_302 : memref<128xi32, #tpu.memory_space<vmem>>)
      tpu.yield
    }) : () -> ()
    %run_scoped3A_123 = arith.constant 0 : i32
    "tpu.region"() ({
      %run_scoped3A_287 = tpu.sem_alloc : memref<!tpu.dma_semaphore, #tpu.memory_space<semaphore_mem>>
      %dma_start3A_288 = arith.constant 0 : i32
      %dma_start3A_289 = tpu.memref_slice %arg8[%run_scoped3A_123, %dma_start3A_288] : memref<2x128xi32, #tpu.memory_space<vmem>> -> memref<1x128xi32, #tpu.memory_space<vmem>>
      %dma_start3A_290 = tpu.memref_squeeze %dma_start3A_289 : memref<1x128xi32, #tpu.memory_space<vmem>> -> memref<128xi32, #tpu.memory_space<vmem>>
      %dma_start3A_291 = tpu.memref_slice %arg4[%mul3A_121] : memref<320000xi32, #tpu.memory_space<hbm>> -> memref<128xi32, #tpu.memory_space<hbm>>
      %dma_start3A_292 = arith.constant 0 : i32
      %dma_start3A_293 = tpu.memref_slice %arg8[%run_scoped3A_123, %dma_start3A_292] : memref<2x128xi32, #tpu.memory_space<vmem>> -> memref<1x128xi32, #tpu.memory_space<vmem>>
      %dma_start3A_294 = tpu.memref_squeeze %dma_start3A_293 : memref<1x128xi32, #tpu.memory_space<vmem>> -> memref<128xi32, #tpu.memory_space<vmem>>
      %dma_start3A_295 = tpu.memref_slice %arg4[%mul3A_121] : memref<320000xi32, #tpu.memory_space<hbm>> -> memref<128xi32, #tpu.memory_space<hbm>>
      tpu.enqueue_dma source(%dma_start3A_295 : memref<128xi32, #tpu.memory_space<hbm>>) target(%dma_start3A_294 : memref<128xi32, #tpu.memory_space<vmem>>) target_semaphore(%run_scoped3A_287 : memref<!tpu.dma_semaphore, #tpu.memory_space<semaphore_mem>>)
      %dma_wait3A_296 = arith.constant 0 : i32
      %dma_wait3A_297 = tpu.memref_slice %arg8[%run_scoped3A_123, %dma_wait3A_296] : memref<2x128xi32, #tpu.memory_space<vmem>> -> memref<1x128xi32, #tpu.memory_space<vmem>>
      %dma_wait3A_298 = tpu.memref_squeeze %dma_wait3A_297 : memref<1x128xi32, #tpu.memory_space<vmem>> -> memref<128xi32, #tpu.memory_space<vmem>>
      %dma_wait3A_299 = tpu.memref_slice %arg4[%mul3A_121] : memref<320000xi32, #tpu.memory_space<hbm>> -> memref<128xi32, #tpu.memory_space<hbm>>
      %dma_wait3A_300 = arith.constant 0 : i32
      %dma_wait3A_301 = tpu.memref_slice %arg8[%run_scoped3A_123, %dma_wait3A_300] : memref<2x128xi32, #tpu.memory_space<vmem>> -> memref<1x128xi32, #tpu.memory_space<vmem>>
      %dma_wait3A_302 = tpu.memref_squeeze %dma_wait3A_301 : memref<1x128xi32, #tpu.memory_space<vmem>> -> memref<128xi32, #tpu.memory_space<vmem>>
      %dma_wait3A_303 = tpu.memref_slice %arg4[%mul3A_121] : memref<320000xi32, #tpu.memory_space<hbm>> -> memref<128xi32, #tpu.memory_space<hbm>>
      tpu.wait_dma2 semaphore(%run_scoped3A_287 : memref<!tpu.dma_semaphore, #tpu.memory_space<semaphore_mem>>) src(%dma_wait3A_303 : memref<128xi32, #tpu.memory_space<hbm>>) dst(%dma_wait3A_302 : memref<128xi32, #tpu.memory_space<vmem>>)
      tpu.yield
    }) : () -> ()
    %dma_start3A_124 = arith.constant 0 : i32
    %dma_start3A_125 = arith.constant 0 : i32
    %dma_start3A_126 = arith.constant 0 : i32
    %dma_start3A_127 = arith.constant 0 : i32
    %dma_start3A_128 = tpu.memref_slice %arg9[%dma_start3A_125, %dma_start3A_126, %dma_start3A_127] : memref<2x128x128xf32, #tpu.memory_space<vmem>> -> memref<1x128x128xf32, #tpu.memory_space<vmem>>
    %dma_start3A_129 = tpu.memref_squeeze %dma_start3A_128 : memref<1x128x128xf32, #tpu.memory_space<vmem>> -> memref<128x128xf32, #tpu.memory_space<vmem>>
    %dma_start3A_130 = arith.constant 0 : i32
    %dma_start3A_131 = tpu.memref_slice %arg7[%dma_start3A_124, %dma_start3A_130] : memref<2x128xi32, #tpu.memory_space<vmem>> -> memref<1x128xi32, #tpu.memory_space<vmem>>
    %dma_start3A_132 = tpu.memref_squeeze %dma_start3A_131 : memref<1x128xi32, #tpu.memory_space<vmem>> -> memref<128xi32, #tpu.memory_space<vmem>>
    %dma_start3A_133 = arith.constant 0 : i32
    %dma_start3A_134 = arith.constant 0 : i32
    %dma_start3A_135 = tpu.memref_slice %arg2[%dma_start3A_133, %dma_start3A_134] : memref<50000x128xf32, #tpu.memory_space<hbm>> -> memref<50000x128xf32, #tpu.memory_space<hbm>>
    tpu.enqueue_indirect_dma source(%dma_start3A_135 : memref<50000x128xf32, #tpu.memory_space<hbm>>) target(%dma_start3A_129 : memref<128x128xf32, #tpu.memory_space<vmem>>) offsets(%dma_start3A_132 : memref<128xi32, #tpu.memory_space<vmem>>) semaphore(%arg14 : memref<!tpu.dma_semaphore, #tpu.memory_space<semaphore_mem>>)
    %dma_wait3A_136 = arith.constant 1 : i32
    %dma_wait3A_137 = arith.constant 1 : i32
    %dma_wait3A_138 = arith.constant 0 : i32
    %dma_wait3A_139 = arith.constant 0 : i32
    %dma_wait3A_140 = tpu.memref_slice %arg9[%dma_wait3A_137, %dma_wait3A_138, %dma_wait3A_139] : memref<2x128x128xf32, #tpu.memory_space<vmem>> -> memref<1x128x128xf32, #tpu.memory_space<vmem>>
    %dma_wait3A_141 = tpu.memref_squeeze %dma_wait3A_140 : memref<1x128x128xf32, #tpu.memory_space<vmem>> -> memref<128x128xf32, #tpu.memory_space<vmem>>
    %dma_wait3A_142 = arith.constant 0 : i32
    %dma_wait3A_143 = tpu.memref_slice %arg7[%dma_wait3A_136, %dma_wait3A_142] : memref<2x128xi32, #tpu.memory_space<vmem>> -> memref<1x128xi32, #tpu.memory_space<vmem>>
    %dma_wait3A_144 = tpu.memref_squeeze %dma_wait3A_143 : memref<1x128xi32, #tpu.memory_space<vmem>> -> memref<128xi32, #tpu.memory_space<vmem>>
    %dma_wait3A_145 = arith.constant 0 : i32
    %dma_wait3A_146 = arith.constant 0 : i32
    %dma_wait3A_147 = tpu.memref_slice %arg2[%dma_wait3A_145, %dma_wait3A_146] : memref<50000x128xf32, #tpu.memory_space<hbm>> -> memref<50000x128xf32, #tpu.memory_space<hbm>>
    tpu.wait_indirect_dma semaphore(%arg15 : memref<!tpu.dma_semaphore, #tpu.memory_space<semaphore_mem>>) src(%dma_wait3A_147 : memref<50000x128xf32, #tpu.memory_space<hbm>>) dst(%dma_wait3A_141 : memref<128x128xf32, #tpu.memory_space<vmem>>)
    %dma_start3A_148 = arith.constant 1 : i32
    %dma_start3A_149 = arith.constant 1 : i32
    %dma_start3A_150 = arith.constant 0 : i32
    %dma_start3A_151 = arith.constant 0 : i32
    %dma_start3A_152 = tpu.memref_slice %arg9[%dma_start3A_148, %dma_start3A_150, %dma_start3A_151] : memref<2x128x128xf32, #tpu.memory_space<vmem>> -> memref<1x128x128xf32, #tpu.memory_space<vmem>>
    %dma_start3A_153 = tpu.memref_squeeze %dma_start3A_152 : memref<1x128x128xf32, #tpu.memory_space<vmem>> -> memref<128x128xf32, #tpu.memory_space<vmem>>
    %dma_start3A_154 = arith.constant 0 : i32
    %dma_start3A_155 = tpu.memref_slice %arg8[%dma_start3A_149, %dma_start3A_154] : memref<2x128xi32, #tpu.memory_space<vmem>> -> memref<1x128xi32, #tpu.memory_space<vmem>>
    %dma_start3A_156 = tpu.memref_squeeze %dma_start3A_155 : memref<1x128xi32, #tpu.memory_space<vmem>> -> memref<128xi32, #tpu.memory_space<vmem>>
    %dma_start3A_157 = arith.constant 0 : i32
    %dma_start3A_158 = arith.constant 0 : i32
    %dma_start3A_159 = tpu.memref_slice %arg12[%dma_start3A_157, %dma_start3A_158] : memref<10000x128xf32, #tpu.memory_space<vmem_shared>> -> memref<10000x128xf32, #tpu.memory_space<vmem_shared>>
    tpu.enqueue_indirect_dma source(%dma_start3A_153 : memref<128x128xf32, #tpu.memory_space<vmem>>) target(%dma_start3A_159 : memref<10000x128xf32, #tpu.memory_space<vmem_shared>>) offsets(%dma_start3A_156 : memref<128xi32, #tpu.memory_space<vmem>>) semaphore(%arg17 : memref<!tpu.dma_semaphore, #tpu.memory_space<semaphore_mem>>) {add = true}
    %run_scoped3A_160 = arith.constant 1 : i32
    "tpu.region"() ({
      %run_scoped3A_287 = tpu.sem_alloc : memref<!tpu.dma_semaphore, #tpu.memory_space<semaphore_mem>>
      %dma_start3A_288 = arith.constant 0 : i32
      %dma_start3A_289 = tpu.memref_slice %arg8[%run_scoped3A_160, %dma_start3A_288] : memref<2x128xi32, #tpu.memory_space<vmem>> -> memref<1x128xi32, #tpu.memory_space<vmem>>
      %dma_start3A_290 = tpu.memref_squeeze %dma_start3A_289 : memref<1x128xi32, #tpu.memory_space<vmem>> -> memref<128xi32, #tpu.memory_space<vmem>>
      %dma_start3A_291 = arith.constant 0 : i32
      %dma_start3A_292 = tpu.memref_slice %arg13[%dma_start3A_291] : memref<10000xf32, #tpu.memory_space<vmem_shared>> -> memref<10000xf32, #tpu.memory_space<vmem_shared>>
      tpu.enqueue_indirect_dma source(%arg10 : memref<128xf32, #tpu.memory_space<vmem>>) target(%dma_start3A_292 : memref<10000xf32, #tpu.memory_space<vmem_shared>>) offsets(%dma_start3A_290 : memref<128xi32, #tpu.memory_space<vmem>>) semaphore(%run_scoped3A_287 : memref<!tpu.dma_semaphore, #tpu.memory_space<semaphore_mem>>) {add = true}
      %dma_wait3A_293 = arith.constant 0 : i32
      %dma_wait3A_294 = tpu.memref_slice %arg8[%run_scoped3A_160, %dma_wait3A_293] : memref<2x128xi32, #tpu.memory_space<vmem>> -> memref<1x128xi32, #tpu.memory_space<vmem>>
      %dma_wait3A_295 = tpu.memref_squeeze %dma_wait3A_294 : memref<1x128xi32, #tpu.memory_space<vmem>> -> memref<128xi32, #tpu.memory_space<vmem>>
      %dma_wait3A_296 = arith.constant 0 : i32
      %dma_wait3A_297 = tpu.memref_slice %arg13[%dma_wait3A_296] : memref<10000xf32, #tpu.memory_space<vmem_shared>> -> memref<10000xf32, #tpu.memory_space<vmem_shared>>
      tpu.wait_indirect_dma semaphore(%run_scoped3A_287 : memref<!tpu.dma_semaphore, #tpu.memory_space<semaphore_mem>>) src(%arg10 : memref<128xf32, #tpu.memory_space<vmem>>) dst(%dma_wait3A_297 : memref<10000xf32, #tpu.memory_space<vmem_shared>>)
      tpu.yield
    }) : () -> ()
    %scan3A_161 = arith.constant 0 : i32
    %scan3A_162 = arith.constant 0 : i32
    %scan3A_163 = arith.constant 37 : i32
    %scan3A_164 = arith.addi %scan3A_162, %scan3A_163 : i32
    %scan3A_165 = arith.constant 1 : i32
    scf.for %scan3A_287 = %scan3A_162 to %scan3A_164 step %scan3A_165  : i32 {
      %mul3A_288 = arith.constant 2 : i32
      %mul3A_289 = arith.muli %scan3A_287, %mul3A_288 : i32
      %add3A_290 = arith.constant 2 : i32
      %add3A_291 = arith.addi %mul3A_289, %add3A_290 : i32
      %add3A_292 = arith.constant 0 : i32
      %add3A_293 = arith.addi %add3A_291, %add3A_292 : i32
      %dma_wait3A_294 = arith.constant 1 : i32
      %dma_wait3A_295 = arith.constant 1 : i32
      %dma_wait3A_296 = arith.constant 0 : i32
      %dma_wait3A_297 = arith.constant 0 : i32
      %dma_wait3A_298 = tpu.memref_slice %arg9[%dma_wait3A_294, %dma_wait3A_296, %dma_wait3A_297] : memref<2x128x128xf32, #tpu.memory_space<vmem>> -> memref<1x128x128xf32, #tpu.memory_space<vmem>>
      %dma_wait3A_299 = tpu.memref_squeeze %dma_wait3A_298 : memref<1x128x128xf32, #tpu.memory_space<vmem>> -> memref<128x128xf32, #tpu.memory_space<vmem>>
      %dma_wait3A_300 = arith.constant 0 : i32
      %dma_wait3A_301 = tpu.memref_slice %arg8[%dma_wait3A_295, %dma_wait3A_300] : memref<2x128xi32, #tpu.memory_space<vmem>> -> memref<1x128xi32, #tpu.memory_space<vmem>>
      %dma_wait3A_302 = tpu.memref_squeeze %dma_wait3A_301 : memref<1x128xi32, #tpu.memory_space<vmem>> -> memref<128xi32, #tpu.memory_space<vmem>>
      %dma_wait3A_303 = arith.constant 0 : i32
      %dma_wait3A_304 = arith.constant 0 : i32
      %dma_wait3A_305 = tpu.memref_slice %arg12[%dma_wait3A_303, %dma_wait3A_304] : memref<10000x128xf32, #tpu.memory_space<vmem_shared>> -> memref<10000x128xf32, #tpu.memory_space<vmem_shared>>
      tpu.wait_indirect_dma semaphore(%arg17 : memref<!tpu.dma_semaphore, #tpu.memory_space<semaphore_mem>>) src(%dma_wait3A_299 : memref<128x128xf32, #tpu.memory_space<vmem>>) dst(%dma_wait3A_305 : memref<10000x128xf32, #tpu.memory_space<vmem_shared>>)
      %add3A_306 = arith.constant 1 : i32
      %add3A_307 = arith.addi %add3A_293, %add3A_306 : i32
      %mul3A_308 = arith.constant 32 : i32
      %mul3A_309 = arith.muli %add3A_307, %mul3A_308 : i32
      %add3A_310 = arith.addi %mul3A_309, %add3A : i32
      %mul3A_311 = arith.constant 128 : i32
      %mul3A_312 = arith.muli %add3A_310, %mul3A_311 : i32
      %run_scoped3A_313 = arith.constant 1 : i32
      "tpu.region"() ({
        %run_scoped3A_416 = tpu.sem_alloc : memref<!tpu.dma_semaphore, #tpu.memory_space<semaphore_mem>>
        %dma_start3A_417 = arith.constant 0 : i32
        %dma_start3A_418 = tpu.memref_slice %arg7[%run_scoped3A_313, %dma_start3A_417] : memref<2x128xi32, #tpu.memory_space<vmem>> -> memref<1x128xi32, #tpu.memory_space<vmem>>
        %dma_start3A_419 = tpu.memref_squeeze %dma_start3A_418 : memref<1x128xi32, #tpu.memory_space<vmem>> -> memref<128xi32, #tpu.memory_space<vmem>>
        %dma_start3A_420 = tpu.memref_slice %arg3[%mul3A_312] : memref<320000xi32, #tpu.memory_space<hbm>> -> memref<128xi32, #tpu.memory_space<hbm>>
        %dma_start3A_421 = arith.constant 0 : i32
        %dma_start3A_422 = tpu.memref_slice %arg7[%run_scoped3A_313, %dma_start3A_421] : memref<2x128xi32, #tpu.memory_space<vmem>> -> memref<1x128xi32, #tpu.memory_space<vmem>>
        %dma_start3A_423 = tpu.memref_squeeze %dma_start3A_422 : memref<1x128xi32, #tpu.memory_space<vmem>> -> memref<128xi32, #tpu.memory_space<vmem>>
        %dma_start3A_424 = tpu.memref_slice %arg3[%mul3A_312] : memref<320000xi32, #tpu.memory_space<hbm>> -> memref<128xi32, #tpu.memory_space<hbm>>
        tpu.enqueue_dma source(%dma_start3A_424 : memref<128xi32, #tpu.memory_space<hbm>>) target(%dma_start3A_423 : memref<128xi32, #tpu.memory_space<vmem>>) target_semaphore(%run_scoped3A_416 : memref<!tpu.dma_semaphore, #tpu.memory_space<semaphore_mem>>)
        %dma_wait3A_425 = arith.constant 0 : i32
        %dma_wait3A_426 = tpu.memref_slice %arg7[%run_scoped3A_313, %dma_wait3A_425] : memref<2x128xi32, #tpu.memory_space<vmem>> -> memref<1x128xi32, #tpu.memory_space<vmem>>
        %dma_wait3A_427 = tpu.memref_squeeze %dma_wait3A_426 : memref<1x128xi32, #tpu.memory_space<vmem>> -> memref<128xi32, #tpu.memory_space<vmem>>
        %dma_wait3A_428 = tpu.memref_slice %arg3[%mul3A_312] : memref<320000xi32, #tpu.memory_space<hbm>> -> memref<128xi32, #tpu.memory_space<hbm>>
        %dma_wait3A_429 = arith.constant 0 : i32
        %dma_wait3A_430 = tpu.memref_slice %arg7[%run_scoped3A_313, %dma_wait3A_429] : memref<2x128xi32, #tpu.memory_space<vmem>> -> memref<1x128xi32, #tpu.memory_space<vmem>>
        %dma_wait3A_431 = tpu.memref_squeeze %dma_wait3A_430 : memref<1x128xi32, #tpu.memory_space<vmem>> -> memref<128xi32, #tpu.memory_space<vmem>>
        %dma_wait3A_432 = tpu.memref_slice %arg3[%mul3A_312] : memref<320000xi32, #tpu.memory_space<hbm>> -> memref<128xi32, #tpu.memory_space<hbm>>
        tpu.wait_dma2 semaphore(%run_scoped3A_416 : memref<!tpu.dma_semaphore, #tpu.memory_space<semaphore_mem>>) src(%dma_wait3A_432 : memref<128xi32, #tpu.memory_space<hbm>>) dst(%dma_wait3A_431 : memref<128xi32, #tpu.memory_space<vmem>>)
        tpu.yield
      }) : () -> ()
      %run_scoped3A_314 = arith.constant 1 : i32
      "tpu.region"() ({
        %run_scoped3A_416 = tpu.sem_alloc : memref<!tpu.dma_semaphore, #tpu.memory_space<semaphore_mem>>
        %dma_start3A_417 = arith.constant 0 : i32
        %dma_start3A_418 = tpu.memref_slice %arg8[%run_scoped3A_314, %dma_start3A_417] : memref<2x128xi32, #tpu.memory_space<vmem>> -> memref<1x128xi32, #tpu.memory_space<vmem>>
        %dma_start3A_419 = tpu.memref_squeeze %dma_start3A_418 : memref<1x128xi32, #tpu.memory_space<vmem>> -> memref<128xi32, #tpu.memory_space<vmem>>
        %dma_start3A_420 = tpu.memref_slice %arg4[%mul3A_312] : memref<320000xi32, #tpu.memory_space<hbm>> -> memref<128xi32, #tpu.memory_space<hbm>>
        %dma_start3A_421 = arith.constant 0 : i32
        %dma_start3A_422 = tpu.memref_slice %arg8[%run_scoped3A_314, %dma_start3A_421] : memref<2x128xi32, #tpu.memory_space<vmem>> -> memref<1x128xi32, #tpu.memory_space<vmem>>
        %dma_start3A_423 = tpu.memref_squeeze %dma_start3A_422 : memref<1x128xi32, #tpu.memory_space<vmem>> -> memref<128xi32, #tpu.memory_space<vmem>>
        %dma_start3A_424 = tpu.memref_slice %arg4[%mul3A_312] : memref<320000xi32, #tpu.memory_space<hbm>> -> memref<128xi32, #tpu.memory_space<hbm>>
        tpu.enqueue_dma source(%dma_start3A_424 : memref<128xi32, #tpu.memory_space<hbm>>) target(%dma_start3A_423 : memref<128xi32, #tpu.memory_space<vmem>>) target_semaphore(%run_scoped3A_416 : memref<!tpu.dma_semaphore, #tpu.memory_space<semaphore_mem>>)
        %dma_wait3A_425 = arith.constant 0 : i32
        %dma_wait3A_426 = tpu.memref_slice %arg8[%run_scoped3A_314, %dma_wait3A_425] : memref<2x128xi32, #tpu.memory_space<vmem>> -> memref<1x128xi32, #tpu.memory_space<vmem>>
        %dma_wait3A_427 = tpu.memref_squeeze %dma_wait3A_426 : memref<1x128xi32, #tpu.memory_space<vmem>> -> memref<128xi32, #tpu.memory_space<vmem>>
        %dma_wait3A_428 = tpu.memref_slice %arg4[%mul3A_312] : memref<320000xi32, #tpu.memory_space<hbm>> -> memref<128xi32, #tpu.memory_space<hbm>>
        %dma_wait3A_429 = arith.constant 0 : i32
        %dma_wait3A_430 = tpu.memref_slice %arg8[%run_scoped3A_314, %dma_wait3A_429] : memref<2x128xi32, #tpu.memory_space<vmem>> -> memref<1x128xi32, #tpu.memory_space<vmem>>
        %dma_wait3A_431 = tpu.memref_squeeze %dma_wait3A_430 : memref<1x128xi32, #tpu.memory_space<vmem>> -> memref<128xi32, #tpu.memory_space<vmem>>
        %dma_wait3A_432 = tpu.memref_slice %arg4[%mul3A_312] : memref<320000xi32, #tpu.memory_space<hbm>> -> memref<128xi32, #tpu.memory_space<hbm>>
        tpu.wait_dma2 semaphore(%run_scoped3A_416 : memref<!tpu.dma_semaphore, #tpu.memory_space<semaphore_mem>>) src(%dma_wait3A_432 : memref<128xi32, #tpu.memory_space<hbm>>) dst(%dma_wait3A_431 : memref<128xi32, #tpu.memory_space<vmem>>)
        tpu.yield
      }) : () -> ()
      %dma_start3A_315 = arith.constant 1 : i32
      %dma_start3A_316 = arith.constant 1 : i32
      %dma_start3A_317 = arith.constant 0 : i32
      %dma_start3A_318 = arith.constant 0 : i32
      %dma_start3A_319 = tpu.memref_slice %arg9[%dma_start3A_316, %dma_start3A_317, %dma_start3A_318] : memref<2x128x128xf32, #tpu.memory_space<vmem>> -> memref<1x128x128xf32, #tpu.memory_space<vmem>>
      %dma_start3A_320 = tpu.memref_squeeze %dma_start3A_319 : memref<1x128x128xf32, #tpu.memory_space<vmem>> -> memref<128x128xf32, #tpu.memory_space<vmem>>
      %dma_start3A_321 = arith.constant 0 : i32
      %dma_start3A_322 = tpu.memref_slice %arg7[%dma_start3A_315, %dma_start3A_321] : memref<2x128xi32, #tpu.memory_space<vmem>> -> memref<1x128xi32, #tpu.memory_space<vmem>>
      %dma_start3A_323 = tpu.memref_squeeze %dma_start3A_322 : memref<1x128xi32, #tpu.memory_space<vmem>> -> memref<128xi32, #tpu.memory_space<vmem>>
      %dma_start3A_324 = arith.constant 0 : i32
      %dma_start3A_325 = arith.constant 0 : i32
      %dma_start3A_326 = tpu.memref_slice %arg2[%dma_start3A_324, %dma_start3A_325] : memref<50000x128xf32, #tpu.memory_space<hbm>> -> memref<50000x128xf32, #tpu.memory_space<hbm>>
      tpu.enqueue_indirect_dma source(%dma_start3A_326 : memref<50000x128xf32, #tpu.memory_space<hbm>>) target(%dma_start3A_320 : memref<128x128xf32, #tpu.memory_space<vmem>>) offsets(%dma_start3A_323 : memref<128xi32, #tpu.memory_space<vmem>>) semaphore(%arg15 : memref<!tpu.dma_semaphore, #tpu.memory_space<semaphore_mem>>)
      %dma_wait3A_327 = arith.constant 0 : i32
      %dma_wait3A_328 = arith.constant 0 : i32
      %dma_wait3A_329 = arith.constant 0 : i32
      %dma_wait3A_330 = arith.constant 0 : i32
      %dma_wait3A_331 = tpu.memref_slice %arg9[%dma_wait3A_328, %dma_wait3A_329, %dma_wait3A_330] : memref<2x128x128xf32, #tpu.memory_space<vmem>> -> memref<1x128x128xf32, #tpu.memory_space<vmem>>
      %dma_wait3A_332 = tpu.memref_squeeze %dma_wait3A_331 : memref<1x128x128xf32, #tpu.memory_space<vmem>> -> memref<128x128xf32, #tpu.memory_space<vmem>>
      %dma_wait3A_333 = arith.constant 0 : i32
      %dma_wait3A_334 = tpu.memref_slice %arg7[%dma_wait3A_327, %dma_wait3A_333] : memref<2x128xi32, #tpu.memory_space<vmem>> -> memref<1x128xi32, #tpu.memory_space<vmem>>
      %dma_wait3A_335 = tpu.memref_squeeze %dma_wait3A_334 : memref<1x128xi32, #tpu.memory_space<vmem>> -> memref<128xi32, #tpu.memory_space<vmem>>
      %dma_wait3A_336 = arith.constant 0 : i32
      %dma_wait3A_337 = arith.constant 0 : i32
      %dma_wait3A_338 = tpu.memref_slice %arg2[%dma_wait3A_336, %dma_wait3A_337] : memref<50000x128xf32, #tpu.memory_space<hbm>> -> memref<50000x128xf32, #tpu.memory_space<hbm>>
      tpu.wait_indirect_dma semaphore(%arg14 : memref<!tpu.dma_semaphore, #tpu.memory_space<semaphore_mem>>) src(%dma_wait3A_338 : memref<50000x128xf32, #tpu.memory_space<hbm>>) dst(%dma_wait3A_332 : memref<128x128xf32, #tpu.memory_space<vmem>>)
      %dma_start3A_339 = arith.constant 0 : i32
      %dma_start3A_340 = arith.constant 0 : i32
      %dma_start3A_341 = arith.constant 0 : i32
      %dma_start3A_342 = arith.constant 0 : i32
      %dma_start3A_343 = tpu.memref_slice %arg9[%dma_start3A_339, %dma_start3A_341, %dma_start3A_342] : memref<2x128x128xf32, #tpu.memory_space<vmem>> -> memref<1x128x128xf32, #tpu.memory_space<vmem>>
      %dma_start3A_344 = tpu.memref_squeeze %dma_start3A_343 : memref<1x128x128xf32, #tpu.memory_space<vmem>> -> memref<128x128xf32, #tpu.memory_space<vmem>>
      %dma_start3A_345 = arith.constant 0 : i32
      %dma_start3A_346 = tpu.memref_slice %arg8[%dma_start3A_340, %dma_start3A_345] : memref<2x128xi32, #tpu.memory_space<vmem>> -> memref<1x128xi32, #tpu.memory_space<vmem>>
      %dma_start3A_347 = tpu.memref_squeeze %dma_start3A_346 : memref<1x128xi32, #tpu.memory_space<vmem>> -> memref<128xi32, #tpu.memory_space<vmem>>
      %dma_start3A_348 = arith.constant 0 : i32
      %dma_start3A_349 = arith.constant 0 : i32
      %dma_start3A_350 = tpu.memref_slice %arg12[%dma_start3A_348, %dma_start3A_349] : memref<10000x128xf32, #tpu.memory_space<vmem_shared>> -> memref<10000x128xf32, #tpu.memory_space<vmem_shared>>
      tpu.enqueue_indirect_dma source(%dma_start3A_344 : memref<128x128xf32, #tpu.memory_space<vmem>>) target(%dma_start3A_350 : memref<10000x128xf32, #tpu.memory_space<vmem_shared>>) offsets(%dma_start3A_347 : memref<128xi32, #tpu.memory_space<vmem>>) semaphore(%arg16 : memref<!tpu.dma_semaphore, #tpu.memory_space<semaphore_mem>>) {add = true}
      %run_scoped3A_351 = arith.constant 0 : i32
      "tpu.region"() ({
        %run_scoped3A_416 = tpu.sem_alloc : memref<!tpu.dma_semaphore, #tpu.memory_space<semaphore_mem>>
        %dma_start3A_417 = arith.constant 0 : i32
        %dma_start3A_418 = tpu.memref_slice %arg8[%run_scoped3A_351, %dma_start3A_417] : memref<2x128xi32, #tpu.memory_space<vmem>> -> memref<1x128xi32, #tpu.memory_space<vmem>>
        %dma_start3A_419 = tpu.memref_squeeze %dma_start3A_418 : memref<1x128xi32, #tpu.memory_space<vmem>> -> memref<128xi32, #tpu.memory_space<vmem>>
        %dma_start3A_420 = arith.constant 0 : i32
        %dma_start3A_421 = tpu.memref_slice %arg13[%dma_start3A_420] : memref<10000xf32, #tpu.memory_space<vmem_shared>> -> memref<10000xf32, #tpu.memory_space<vmem_shared>>
        tpu.enqueue_indirect_dma source(%arg10 : memref<128xf32, #tpu.memory_space<vmem>>) target(%dma_start3A_421 : memref<10000xf32, #tpu.memory_space<vmem_shared>>) offsets(%dma_start3A_419 : memref<128xi32, #tpu.memory_space<vmem>>) semaphore(%run_scoped3A_416 : memref<!tpu.dma_semaphore, #tpu.memory_space<semaphore_mem>>) {add = true}
        %dma_wait3A_422 = arith.constant 0 : i32
        %dma_wait3A_423 = tpu.memref_slice %arg8[%run_scoped3A_351, %dma_wait3A_422] : memref<2x128xi32, #tpu.memory_space<vmem>> -> memref<1x128xi32, #tpu.memory_space<vmem>>
        %dma_wait3A_424 = tpu.memref_squeeze %dma_wait3A_423 : memref<1x128xi32, #tpu.memory_space<vmem>> -> memref<128xi32, #tpu.memory_space<vmem>>
        %dma_wait3A_425 = arith.constant 0 : i32
        %dma_wait3A_426 = tpu.memref_slice %arg13[%dma_wait3A_425] : memref<10000xf32, #tpu.memory_space<vmem_shared>> -> memref<10000xf32, #tpu.memory_space<vmem_shared>>
        tpu.wait_indirect_dma semaphore(%run_scoped3A_416 : memref<!tpu.dma_semaphore, #tpu.memory_space<semaphore_mem>>) src(%arg10 : memref<128xf32, #tpu.memory_space<vmem>>) dst(%dma_wait3A_426 : memref<10000xf32, #tpu.memory_space<vmem_shared>>)
        tpu.yield
      }) : () -> ()
      %mul3A_352 = arith.constant 2 : i32
      %mul3A_353 = arith.muli %scan3A_287, %mul3A_352 : i32
      %add3A_354 = arith.constant 2 : i32
      %add3A_355 = arith.addi %mul3A_353, %add3A_354 : i32
      %add3A_356 = arith.constant 1 : i32
      %add3A_357 = arith.addi %add3A_355, %add3A_356 : i32
      %dma_wait3A_358 = arith.constant 0 : i32
      %dma_wait3A_359 = arith.constant 0 : i32
      %dma_wait3A_360 = arith.constant 0 : i32
      %dma_wait3A_361 = arith.constant 0 : i32
      %dma_wait3A_362 = tpu.memref_slice %arg9[%dma_wait3A_358, %dma_wait3A_360, %dma_wait3A_361] : memref<2x128x128xf32, #tpu.memory_space<vmem>> -> memref<1x128x128xf32, #tpu.memory_space<vmem>>
      %dma_wait3A_363 = tpu.memref_squeeze %dma_wait3A_362 : memref<1x128x128xf32, #tpu.memory_space<vmem>> -> memref<128x128xf32, #tpu.memory_space<vmem>>
      %dma_wait3A_364 = arith.constant 0 : i32
      %dma_wait3A_365 = tpu.memref_slice %arg8[%dma_wait3A_359, %dma_wait3A_364] : memref<2x128xi32, #tpu.memory_space<vmem>> -> memref<1x128xi32, #tpu.memory_space<vmem>>
      %dma_wait3A_366 = tpu.memref_squeeze %dma_wait3A_365 : memref<1x128xi32, #tpu.memory_space<vmem>> -> memref<128xi32, #tpu.memory_space<vmem>>
      %dma_wait3A_367 = arith.constant 0 : i32
      %dma_wait3A_368 = arith.constant 0 : i32
      %dma_wait3A_369 = tpu.memref_slice %arg12[%dma_wait3A_367, %dma_wait3A_368] : memref<10000x128xf32, #tpu.memory_space<vmem_shared>> -> memref<10000x128xf32, #tpu.memory_space<vmem_shared>>
      tpu.wait_indirect_dma semaphore(%arg16 : memref<!tpu.dma_semaphore, #tpu.memory_space<semaphore_mem>>) src(%dma_wait3A_363 : memref<128x128xf32, #tpu.memory_space<vmem>>) dst(%dma_wait3A_369 : memref<10000x128xf32, #tpu.memory_space<vmem_shared>>)
      %add3A_370 = arith.constant 1 : i32
      %add3A_371 = arith.addi %add3A_357, %add3A_370 : i32
      %mul3A_372 = arith.constant 32 : i32
      %mul3A_373 = arith.muli %add3A_371, %mul3A_372 : i32
      %add3A_374 = arith.addi %mul3A_373, %add3A : i32
      %mul3A_375 = arith.constant 128 : i32
      %mul3A_376 = arith.muli %add3A_374, %mul3A_375 : i32
      %run_scoped3A_377 = arith.constant 0 : i32
      "tpu.region"() ({
        %run_scoped3A_416 = tpu.sem_alloc : memref<!tpu.dma_semaphore, #tpu.memory_space<semaphore_mem>>
        %dma_start3A_417 = arith.constant 0 : i32
        %dma_start3A_418 = tpu.memref_slice %arg7[%run_scoped3A_377, %dma_start3A_417] : memref<2x128xi32, #tpu.memory_space<vmem>> -> memref<1x128xi32, #tpu.memory_space<vmem>>
        %dma_start3A_419 = tpu.memref_squeeze %dma_start3A_418 : memref<1x128xi32, #tpu.memory_space<vmem>> -> memref<128xi32, #tpu.memory_space<vmem>>
        %dma_start3A_420 = tpu.memref_slice %arg3[%mul3A_376] : memref<320000xi32, #tpu.memory_space<hbm>> -> memref<128xi32, #tpu.memory_space<hbm>>
        %dma_start3A_421 = arith.constant 0 : i32
        %dma_start3A_422 = tpu.memref_slice %arg7[%run_scoped3A_377, %dma_start3A_421] : memref<2x128xi32, #tpu.memory_space<vmem>> -> memref<1x128xi32, #tpu.memory_space<vmem>>
        %dma_start3A_423 = tpu.memref_squeeze %dma_start3A_422 : memref<1x128xi32, #tpu.memory_space<vmem>> -> memref<128xi32, #tpu.memory_space<vmem>>
        %dma_start3A_424 = tpu.memref_slice %arg3[%mul3A_376] : memref<320000xi32, #tpu.memory_space<hbm>> -> memref<128xi32, #tpu.memory_space<hbm>>
        tpu.enqueue_dma source(%dma_start3A_424 : memref<128xi32, #tpu.memory_space<hbm>>) target(%dma_start3A_423 : memref<128xi32, #tpu.memory_space<vmem>>) target_semaphore(%run_scoped3A_416 : memref<!tpu.dma_semaphore, #tpu.memory_space<semaphore_mem>>)
        %dma_wait3A_425 = arith.constant 0 : i32
        %dma_wait3A_426 = tpu.memref_slice %arg7[%run_scoped3A_377, %dma_wait3A_425] : memref<2x128xi32, #tpu.memory_space<vmem>> -> memref<1x128xi32, #tpu.memory_space<vmem>>
        %dma_wait3A_427 = tpu.memref_squeeze %dma_wait3A_426 : memref<1x128xi32, #tpu.memory_space<vmem>> -> memref<128xi32, #tpu.memory_space<vmem>>
        %dma_wait3A_428 = tpu.memref_slice %arg3[%mul3A_376] : memref<320000xi32, #tpu.memory_space<hbm>> -> memref<128xi32, #tpu.memory_space<hbm>>
        %dma_wait3A_429 = arith.constant 0 : i32
        %dma_wait3A_430 = tpu.memref_slice %arg7[%run_scoped3A_377, %dma_wait3A_429] : memref<2x128xi32, #tpu.memory_space<vmem>> -> memref<1x128xi32, #tpu.memory_space<vmem>>
        %dma_wait3A_431 = tpu.memref_squeeze %dma_wait3A_430 : memref<1x128xi32, #tpu.memory_space<vmem>> -> memref<128xi32, #tpu.memory_space<vmem>>
        %dma_wait3A_432 = tpu.memref_slice %arg3[%mul3A_376] : memref<320000xi32, #tpu.memory_space<hbm>> -> memref<128xi32, #tpu.memory_space<hbm>>
        tpu.wait_dma2 semaphore(%run_scoped3A_416 : memref<!tpu.dma_semaphore, #tpu.memory_space<semaphore_mem>>) src(%dma_wait3A_432 : memref<128xi32, #tpu.memory_space<hbm>>) dst(%dma_wait3A_431 : memref<128xi32, #tpu.memory_space<vmem>>)
        tpu.yield
      }) : () -> ()
      %run_scoped3A_378 = arith.constant 0 : i32
      "tpu.region"() ({
        %run_scoped3A_416 = tpu.sem_alloc : memref<!tpu.dma_semaphore, #tpu.memory_space<semaphore_mem>>
        %dma_start3A_417 = arith.constant 0 : i32
        %dma_start3A_418 = tpu.memref_slice %arg8[%run_scoped3A_378, %dma_start3A_417] : memref<2x128xi32, #tpu.memory_space<vmem>> -> memref<1x128xi32, #tpu.memory_space<vmem>>
        %dma_start3A_419 = tpu.memref_squeeze %dma_start3A_418 : memref<1x128xi32, #tpu.memory_space<vmem>> -> memref<128xi32, #tpu.memory_space<vmem>>
        %dma_start3A_420 = tpu.memref_slice %arg4[%mul3A_376] : memref<320000xi32, #tpu.memory_space<hbm>> -> memref<128xi32, #tpu.memory_space<hbm>>
        %dma_start3A_421 = arith.constant 0 : i32
        %dma_start3A_422 = tpu.memref_slice %arg8[%run_scoped3A_378, %dma_start3A_421] : memref<2x128xi32, #tpu.memory_space<vmem>> -> memref<1x128xi32, #tpu.memory_space<vmem>>
        %dma_start3A_423 = tpu.memref_squeeze %dma_start3A_422 : memref<1x128xi32, #tpu.memory_space<vmem>> -> memref<128xi32, #tpu.memory_space<vmem>>
        %dma_start3A_424 = tpu.memref_slice %arg4[%mul3A_376] : memref<320000xi32, #tpu.memory_space<hbm>> -> memref<128xi32, #tpu.memory_space<hbm>>
        tpu.enqueue_dma source(%dma_start3A_424 : memref<128xi32, #tpu.memory_space<hbm>>) target(%dma_start3A_423 : memref<128xi32, #tpu.memory_space<vmem>>) target_semaphore(%run_scoped3A_416 : memref<!tpu.dma_semaphore, #tpu.memory_space<semaphore_mem>>)
        %dma_wait3A_425 = arith.constant 0 : i32
        %dma_wait3A_426 = tpu.memref_slice %arg8[%run_scoped3A_378, %dma_wait3A_425] : memref<2x128xi32, #tpu.memory_space<vmem>> -> memref<1x128xi32, #tpu.memory_space<vmem>>
        %dma_wait3A_427 = tpu.memref_squeeze %dma_wait3A_426 : memref<1x128xi32, #tpu.memory_space<vmem>> -> memref<128xi32, #tpu.memory_space<vmem>>
        %dma_wait3A_428 = tpu.memref_slice %arg4[%mul3A_376] : memref<320000xi32, #tpu.memory_space<hbm>> -> memref<128xi32, #tpu.memory_space<hbm>>
        %dma_wait3A_429 = arith.constant 0 : i32
        %dma_wait3A_430 = tpu.memref_slice %arg8[%run_scoped3A_378, %dma_wait3A_429] : memref<2x128xi32, #tpu.memory_space<vmem>> -> memref<1x128xi32, #tpu.memory_space<vmem>>
        %dma_wait3A_431 = tpu.memref_squeeze %dma_wait3A_430 : memref<1x128xi32, #tpu.memory_space<vmem>> -> memref<128xi32, #tpu.memory_space<vmem>>
        %dma_wait3A_432 = tpu.memref_slice %arg4[%mul3A_376] : memref<320000xi32, #tpu.memory_space<hbm>> -> memref<128xi32, #tpu.memory_space<hbm>>
        tpu.wait_dma2 semaphore(%run_scoped3A_416 : memref<!tpu.dma_semaphore, #tpu.memory_space<semaphore_mem>>) src(%dma_wait3A_432 : memref<128xi32, #tpu.memory_space<hbm>>) dst(%dma_wait3A_431 : memref<128xi32, #tpu.memory_space<vmem>>)
        tpu.yield
      }) : () -> ()
      %dma_start3A_379 = arith.constant 0 : i32
      %dma_start3A_380 = arith.constant 0 : i32
      %dma_start3A_381 = arith.constant 0 : i32
      %dma_start3A_382 = arith.constant 0 : i32
      %dma_start3A_383 = tpu.memref_slice %arg9[%dma_start3A_380, %dma_start3A_381, %dma_start3A_382] : memref<2x128x128xf32, #tpu.memory_space<vmem>> -> memref<1x128x128xf32, #tpu.memory_space<vmem>>
      %dma_start3A_384 = tpu.memref_squeeze %dma_start3A_383 : memref<1x128x128xf32, #tpu.memory_space<vmem>> -> memref<128x128xf32, #tpu.memory_space<vmem>>
      %dma_start3A_385 = arith.constant 0 : i32
      %dma_start3A_386 = tpu.memref_slice %arg7[%dma_start3A_379, %dma_start3A_385] : memref<2x128xi32, #tpu.memory_space<vmem>> -> memref<1x128xi32, #tpu.memory_space<vmem>>
      %dma_start3A_387 = tpu.memref_squeeze %dma_start3A_386 : memref<1x128xi32, #tpu.memory_space<vmem>> -> memref<128xi32, #tpu.memory_space<vmem>>
      %dma_start3A_388 = arith.constant 0 : i32
      %dma_start3A_389 = arith.constant 0 : i32
      %dma_start3A_390 = tpu.memref_slice %arg2[%dma_start3A_388, %dma_start3A_389] : memref<50000x128xf32, #tpu.memory_space<hbm>> -> memref<50000x128xf32, #tpu.memory_space<hbm>>
      tpu.enqueue_indirect_dma source(%dma_start3A_390 : memref<50000x128xf32, #tpu.memory_space<hbm>>) target(%dma_start3A_384 : memref<128x128xf32, #tpu.memory_space<vmem>>) offsets(%dma_start3A_387 : memref<128xi32, #tpu.memory_space<vmem>>) semaphore(%arg14 : memref<!tpu.dma_semaphore, #tpu.memory_space<semaphore_mem>>)
      %dma_wait3A_391 = arith.constant 1 : i32
      %dma_wait3A_392 = arith.constant 1 : i32
      %dma_wait3A_393 = arith.constant 0 : i32
      %dma_wait3A_394 = arith.constant 0 : i32
      %dma_wait3A_395 = tpu.memref_slice %arg9[%dma_wait3A_392, %dma_wait3A_393, %dma_wait3A_394] : memref<2x128x128xf32, #tpu.memory_space<vmem>> -> memref<1x128x128xf32, #tpu.memory_space<vmem>>
      %dma_wait3A_396 = tpu.memref_squeeze %dma_wait3A_395 : memref<1x128x128xf32, #tpu.memory_space<vmem>> -> memref<128x128xf32, #tpu.memory_space<vmem>>
      %dma_wait3A_397 = arith.constant 0 : i32
      %dma_wait3A_398 = tpu.memref_slice %arg7[%dma_wait3A_391, %dma_wait3A_397] : memref<2x128xi32, #tpu.memory_space<vmem>> -> memref<1x128xi32, #tpu.memory_space<vmem>>
      %dma_wait3A_399 = tpu.memref_squeeze %dma_wait3A_398 : memref<1x128xi32, #tpu.memory_space<vmem>> -> memref<128xi32, #tpu.memory_space<vmem>>
      %dma_wait3A_400 = arith.constant 0 : i32
      %dma_wait3A_401 = arith.constant 0 : i32
      %dma_wait3A_402 = tpu.memref_slice %arg2[%dma_wait3A_400, %dma_wait3A_401] : memref<50000x128xf32, #tpu.memory_space<hbm>> -> memref<50000x128xf32, #tpu.memory_space<hbm>>
      tpu.wait_indirect_dma semaphore(%arg15 : memref<!tpu.dma_semaphore, #tpu.memory_space<semaphore_mem>>) src(%dma_wait3A_402 : memref<50000x128xf32, #tpu.memory_space<hbm>>) dst(%dma_wait3A_396 : memref<128x128xf32, #tpu.memory_space<vmem>>)
      %dma_start3A_403 = arith.constant 1 : i32
      %dma_start3A_404 = arith.constant 1 : i32
      %dma_start3A_405 = arith.constant 0 : i32
      %dma_start3A_406 = arith.constant 0 : i32
      %dma_start3A_407 = tpu.memref_slice %arg9[%dma_start3A_403, %dma_start3A_405, %dma_start3A_406] : memref<2x128x128xf32, #tpu.memory_space<vmem>> -> memref<1x128x128xf32, #tpu.memory_space<vmem>>
      %dma_start3A_408 = tpu.memref_squeeze %dma_start3A_407 : memref<1x128x128xf32, #tpu.memory_space<vmem>> -> memref<128x128xf32, #tpu.memory_space<vmem>>
      %dma_start3A_409 = arith.constant 0 : i32
      %dma_start3A_410 = tpu.memref_slice %arg8[%dma_start3A_404, %dma_start3A_409] : memref<2x128xi32, #tpu.memory_space<vmem>> -> memref<1x128xi32, #tpu.memory_space<vmem>>
      %dma_start3A_411 = tpu.memref_squeeze %dma_start3A_410 : memref<1x128xi32, #tpu.memory_space<vmem>> -> memref<128xi32, #tpu.memory_space<vmem>>
      %dma_start3A_412 = arith.constant 0 : i32
      %dma_start3A_413 = arith.constant 0 : i32
      %dma_start3A_414 = tpu.memref_slice %arg12[%dma_start3A_412, %dma_start3A_413] : memref<10000x128xf32, #tpu.memory_space<vmem_shared>> -> memref<10000x128xf32, #tpu.memory_space<vmem_shared>>
      tpu.enqueue_indirect_dma source(%dma_start3A_408 : memref<128x128xf32, #tpu.memory_space<vmem>>) target(%dma_start3A_414 : memref<10000x128xf32, #tpu.memory_space<vmem_shared>>) offsets(%dma_start3A_411 : memref<128xi32, #tpu.memory_space<vmem>>) semaphore(%arg17 : memref<!tpu.dma_semaphore, #tpu.memory_space<semaphore_mem>>) {add = true}
      %run_scoped3A_415 = arith.constant 1 : i32
      "tpu.region"() ({
        %run_scoped3A_416 = tpu.sem_alloc : memref<!tpu.dma_semaphore, #tpu.memory_space<semaphore_mem>>
        %dma_start3A_417 = arith.constant 0 : i32
        %dma_start3A_418 = tpu.memref_slice %arg8[%run_scoped3A_415, %dma_start3A_417] : memref<2x128xi32, #tpu.memory_space<vmem>> -> memref<1x128xi32, #tpu.memory_space<vmem>>
        %dma_start3A_419 = tpu.memref_squeeze %dma_start3A_418 : memref<1x128xi32, #tpu.memory_space<vmem>> -> memref<128xi32, #tpu.memory_space<vmem>>
        %dma_start3A_420 = arith.constant 0 : i32
        %dma_start3A_421 = tpu.memref_slice %arg13[%dma_start3A_420] : memref<10000xf32, #tpu.memory_space<vmem_shared>> -> memref<10000xf32, #tpu.memory_space<vmem_shared>>
        tpu.enqueue_indirect_dma source(%arg10 : memref<128xf32, #tpu.memory_space<vmem>>) target(%dma_start3A_421 : memref<10000xf32, #tpu.memory_space<vmem_shared>>) offsets(%dma_start3A_419 : memref<128xi32, #tpu.memory_space<vmem>>) semaphore(%run_scoped3A_416 : memref<!tpu.dma_semaphore, #tpu.memory_space<semaphore_mem>>) {add = true}
        %dma_wait3A_422 = arith.constant 0 : i32
        %dma_wait3A_423 = tpu.memref_slice %arg8[%run_scoped3A_415, %dma_wait3A_422] : memref<2x128xi32, #tpu.memory_space<vmem>> -> memref<1x128xi32, #tpu.memory_space<vmem>>
        %dma_wait3A_424 = tpu.memref_squeeze %dma_wait3A_423 : memref<1x128xi32, #tpu.memory_space<vmem>> -> memref<128xi32, #tpu.memory_space<vmem>>
        %dma_wait3A_425 = arith.constant 0 : i32
        %dma_wait3A_426 = tpu.memref_slice %arg13[%dma_wait3A_425] : memref<10000xf32, #tpu.memory_space<vmem_shared>> -> memref<10000xf32, #tpu.memory_space<vmem_shared>>
        tpu.wait_indirect_dma semaphore(%run_scoped3A_416 : memref<!tpu.dma_semaphore, #tpu.memory_space<semaphore_mem>>) src(%arg10 : memref<128xf32, #tpu.memory_space<vmem>>) dst(%dma_wait3A_426 : memref<10000xf32, #tpu.memory_space<vmem_shared>>)
        tpu.yield
      }) : () -> ()
    }
    %scan3A_166 = arith.constant 37 : i32
    %dma_wait3A_167 = arith.constant 1 : i32
    %dma_wait3A_168 = arith.constant 1 : i32
    %dma_wait3A_169 = arith.constant 0 : i32
    %dma_wait3A_170 = arith.constant 0 : i32
    %dma_wait3A_171 = tpu.memref_slice %arg9[%dma_wait3A_167, %dma_wait3A_169, %dma_wait3A_170] : memref<2x128x128xf32, #tpu.memory_space<vmem>> -> memref<1x128x128xf32, #tpu.memory_space<vmem>>
    %dma_wait3A_172 = tpu.memref_squeeze %dma_wait3A_171 : memref<1x128x128xf32, #tpu.memory_space<vmem>> -> memref<128x128xf32, #tpu.memory_space<vmem>>
    %dma_wait3A_173 = arith.constant 0 : i32
    %dma_wait3A_174 = tpu.memref_slice %arg8[%dma_wait3A_168, %dma_wait3A_173] : memref<2x128xi32, #tpu.memory_space<vmem>> -> memref<1x128xi32, #tpu.memory_space<vmem>>
    %dma_wait3A_175 = tpu.memref_squeeze %dma_wait3A_174 : memref<1x128xi32, #tpu.memory_space<vmem>> -> memref<128xi32, #tpu.memory_space<vmem>>
    %dma_wait3A_176 = arith.constant 0 : i32
    %dma_wait3A_177 = arith.constant 0 : i32
    %dma_wait3A_178 = tpu.memref_slice %arg12[%dma_wait3A_176, %dma_wait3A_177] : memref<10000x128xf32, #tpu.memory_space<vmem_shared>> -> memref<10000x128xf32, #tpu.memory_space<vmem_shared>>
    tpu.wait_indirect_dma semaphore(%arg17 : memref<!tpu.dma_semaphore, #tpu.memory_space<semaphore_mem>>) src(%dma_wait3A_172 : memref<128x128xf32, #tpu.memory_space<vmem>>) dst(%dma_wait3A_178 : memref<10000x128xf32, #tpu.memory_space<vmem_shared>>)
    %add3A_179 = arith.constant 2464 : i32
    %add3A_180 = arith.addi %add3A_179, %add3A : i32
    %mul3A_181 = arith.constant 128 : i32
    %mul3A_182 = arith.muli %add3A_180, %mul3A_181 : i32
    %run_scoped3A_183 = arith.constant 1 : i32
    "tpu.region"() ({
      %run_scoped3A_287 = tpu.sem_alloc : memref<!tpu.dma_semaphore, #tpu.memory_space<semaphore_mem>>
      %dma_start3A_288 = arith.constant 0 : i32
      %dma_start3A_289 = tpu.memref_slice %arg7[%run_scoped3A_183, %dma_start3A_288] : memref<2x128xi32, #tpu.memory_space<vmem>> -> memref<1x128xi32, #tpu.memory_space<vmem>>
      %dma_start3A_290 = tpu.memref_squeeze %dma_start3A_289 : memref<1x128xi32, #tpu.memory_space<vmem>> -> memref<128xi32, #tpu.memory_space<vmem>>
      %dma_start3A_291 = tpu.memref_slice %arg3[%mul3A_182] : memref<320000xi32, #tpu.memory_space<hbm>> -> memref<128xi32, #tpu.memory_space<hbm>>
      %dma_start3A_292 = arith.constant 0 : i32
      %dma_start3A_293 = tpu.memref_slice %arg7[%run_scoped3A_183, %dma_start3A_292] : memref<2x128xi32, #tpu.memory_space<vmem>> -> memref<1x128xi32, #tpu.memory_space<vmem>>
      %dma_start3A_294 = tpu.memref_squeeze %dma_start3A_293 : memref<1x128xi32, #tpu.memory_space<vmem>> -> memref<128xi32, #tpu.memory_space<vmem>>
      %dma_start3A_295 = tpu.memref_slice %arg3[%mul3A_182] : memref<320000xi32, #tpu.memory_space<hbm>> -> memref<128xi32, #tpu.memory_space<hbm>>
      tpu.enqueue_dma source(%dma_start3A_295 : memref<128xi32, #tpu.memory_space<hbm>>) target(%dma_start3A_294 : memref<128xi32, #tpu.memory_space<vmem>>) target_semaphore(%run_scoped3A_287 : memref<!tpu.dma_semaphore, #tpu.memory_space<semaphore_mem>>)
      %dma_wait3A_296 = arith.constant 0 : i32
      %dma_wait3A_297 = tpu.memref_slice %arg7[%run_scoped3A_183, %dma_wait3A_296] : memref<2x128xi32, #tpu.memory_space<vmem>> -> memref<1x128xi32, #tpu.memory_space<vmem>>
      %dma_wait3A_298 = tpu.memref_squeeze %dma_wait3A_297 : memref<1x128xi32, #tpu.memory_space<vmem>> -> memref<128xi32, #tpu.memory_space<vmem>>
      %dma_wait3A_299 = tpu.memref_slice %arg3[%mul3A_182] : memref<320000xi32, #tpu.memory_space<hbm>> -> memref<128xi32, #tpu.memory_space<hbm>>
      %dma_wait3A_300 = arith.constant 0 : i32
      %dma_wait3A_301 = tpu.memref_slice %arg7[%run_scoped3A_183, %dma_wait3A_300] : memref<2x128xi32, #tpu.memory_space<vmem>> -> memref<1x128xi32, #tpu.memory_space<vmem>>
      %dma_wait3A_302 = tpu.memref_squeeze %dma_wait3A_301 : memref<1x128xi32, #tpu.memory_space<vmem>> -> memref<128xi32, #tpu.memory_space<vmem>>
      %dma_wait3A_303 = tpu.memref_slice %arg3[%mul3A_182] : memref<320000xi32, #tpu.memory_space<hbm>> -> memref<128xi32, #tpu.memory_space<hbm>>
      tpu.wait_dma2 semaphore(%run_scoped3A_287 : memref<!tpu.dma_semaphore, #tpu.memory_space<semaphore_mem>>) src(%dma_wait3A_303 : memref<128xi32, #tpu.memory_space<hbm>>) dst(%dma_wait3A_302 : memref<128xi32, #tpu.memory_space<vmem>>)
      tpu.yield
    }) : () -> ()
    %run_scoped3A_184 = arith.constant 1 : i32
    "tpu.region"() ({
      %run_scoped3A_287 = tpu.sem_alloc : memref<!tpu.dma_semaphore, #tpu.memory_space<semaphore_mem>>
      %dma_start3A_288 = arith.constant 0 : i32
      %dma_start3A_289 = tpu.memref_slice %arg8[%run_scoped3A_184, %dma_start3A_288] : memref<2x128xi32, #tpu.memory_space<vmem>> -> memref<1x128xi32, #tpu.memory_space<vmem>>
      %dma_start3A_290 = tpu.memref_squeeze %dma_start3A_289 : memref<1x128xi32, #tpu.memory_space<vmem>> -> memref<128xi32, #tpu.memory_space<vmem>>
      %dma_start3A_291 = tpu.memref_slice %arg4[%mul3A_182] : memref<320000xi32, #tpu.memory_space<hbm>> -> memref<128xi32, #tpu.memory_space<hbm>>
      %dma_start3A_292 = arith.constant 0 : i32
      %dma_start3A_293 = tpu.memref_slice %arg8[%run_scoped3A_184, %dma_start3A_292] : memref<2x128xi32, #tpu.memory_space<vmem>> -> memref<1x128xi32, #tpu.memory_space<vmem>>
      %dma_start3A_294 = tpu.memref_squeeze %dma_start3A_293 : memref<1x128xi32, #tpu.memory_space<vmem>> -> memref<128xi32, #tpu.memory_space<vmem>>
      %dma_start3A_295 = tpu.memref_slice %arg4[%mul3A_182] : memref<320000xi32, #tpu.memory_space<hbm>> -> memref<128xi32, #tpu.memory_space<hbm>>
      tpu.enqueue_dma source(%dma_start3A_295 : memref<128xi32, #tpu.memory_space<hbm>>) target(%dma_start3A_294 : memref<128xi32, #tpu.memory_space<vmem>>) target_semaphore(%run_scoped3A_287 : memref<!tpu.dma_semaphore, #tpu.memory_space<semaphore_mem>>)
      %dma_wait3A_296 = arith.constant 0 : i32
      %dma_wait3A_297 = tpu.memref_slice %arg8[%run_scoped3A_184, %dma_wait3A_296] : memref<2x128xi32, #tpu.memory_space<vmem>> -> memref<1x128xi32, #tpu.memory_space<vmem>>
      %dma_wait3A_298 = tpu.memref_squeeze %dma_wait3A_297 : memref<1x128xi32, #tpu.memory_space<vmem>> -> memref<128xi32, #tpu.memory_space<vmem>>
      %dma_wait3A_299 = tpu.memref_slice %arg4[%mul3A_182] : memref<320000xi32, #tpu.memory_space<hbm>> -> memref<128xi32, #tpu.memory_space<hbm>>
      %dma_wait3A_300 = arith.constant 0 : i32
      %dma_wait3A_301 = tpu.memref_slice %arg8[%run_scoped3A_184, %dma_wait3A_300] : memref<2x128xi32, #tpu.memory_space<vmem>> -> memref<1x128xi32, #tpu.memory_space<vmem>>
      %dma_wait3A_302 = tpu.memref_squeeze %dma_wait3A_301 : memref<1x128xi32, #tpu.memory_space<vmem>> -> memref<128xi32, #tpu.memory_space<vmem>>
      %dma_wait3A_303 = tpu.memref_slice %arg4[%mul3A_182] : memref<320000xi32, #tpu.memory_space<hbm>> -> memref<128xi32, #tpu.memory_space<hbm>>
      tpu.wait_dma2 semaphore(%run_scoped3A_287 : memref<!tpu.dma_semaphore, #tpu.memory_space<semaphore_mem>>) src(%dma_wait3A_303 : memref<128xi32, #tpu.memory_space<hbm>>) dst(%dma_wait3A_302 : memref<128xi32, #tpu.memory_space<vmem>>)
      tpu.yield
    }) : () -> ()
    %dma_start3A_185 = arith.constant 1 : i32
    %dma_start3A_186 = arith.constant 1 : i32
    %dma_start3A_187 = arith.constant 0 : i32
    %dma_start3A_188 = arith.constant 0 : i32
    %dma_start3A_189 = tpu.memref_slice %arg9[%dma_start3A_186, %dma_start3A_187, %dma_start3A_188] : memref<2x128x128xf32, #tpu.memory_space<vmem>> -> memref<1x128x128xf32, #tpu.memory_space<vmem>>
    %dma_start3A_190 = tpu.memref_squeeze %dma_start3A_189 : memref<1x128x128xf32, #tpu.memory_space<vmem>> -> memref<128x128xf32, #tpu.memory_space<vmem>>
    %dma_start3A_191 = arith.constant 0 : i32
    %dma_start3A_192 = tpu.memref_slice %arg7[%dma_start3A_185, %dma_start3A_191] : memref<2x128xi32, #tpu.memory_space<vmem>> -> memref<1x128xi32, #tpu.memory_space<vmem>>
    %dma_start3A_193 = tpu.memref_squeeze %dma_start3A_192 : memref<1x128xi32, #tpu.memory_space<vmem>> -> memref<128xi32, #tpu.memory_space<vmem>>
    %dma_start3A_194 = arith.constant 0 : i32
    %dma_start3A_195 = arith.constant 0 : i32
    %dma_start3A_196 = tpu.memref_slice %arg2[%dma_start3A_194, %dma_start3A_195] : memref<50000x128xf32, #tpu.memory_space<hbm>> -> memref<50000x128xf32, #tpu.memory_space<hbm>>
    tpu.enqueue_indirect_dma source(%dma_start3A_196 : memref<50000x128xf32, #tpu.memory_space<hbm>>) target(%dma_start3A_190 : memref<128x128xf32, #tpu.memory_space<vmem>>) offsets(%dma_start3A_193 : memref<128xi32, #tpu.memory_space<vmem>>) semaphore(%arg15 : memref<!tpu.dma_semaphore, #tpu.memory_space<semaphore_mem>>)
    %dma_wait3A_197 = arith.constant 0 : i32
    %dma_wait3A_198 = arith.constant 0 : i32
    %dma_wait3A_199 = arith.constant 0 : i32
    %dma_wait3A_200 = arith.constant 0 : i32
    %dma_wait3A_201 = tpu.memref_slice %arg9[%dma_wait3A_198, %dma_wait3A_199, %dma_wait3A_200] : memref<2x128x128xf32, #tpu.memory_space<vmem>> -> memref<1x128x128xf32, #tpu.memory_space<vmem>>
    %dma_wait3A_202 = tpu.memref_squeeze %dma_wait3A_201 : memref<1x128x128xf32, #tpu.memory_space<vmem>> -> memref<128x128xf32, #tpu.memory_space<vmem>>
    %dma_wait3A_203 = arith.constant 0 : i32
    %dma_wait3A_204 = tpu.memref_slice %arg7[%dma_wait3A_197, %dma_wait3A_203] : memref<2x128xi32, #tpu.memory_space<vmem>> -> memref<1x128xi32, #tpu.memory_space<vmem>>
    %dma_wait3A_205 = tpu.memref_squeeze %dma_wait3A_204 : memref<1x128xi32, #tpu.memory_space<vmem>> -> memref<128xi32, #tpu.memory_space<vmem>>
    %dma_wait3A_206 = arith.constant 0 : i32
    %dma_wait3A_207 = arith.constant 0 : i32
    %dma_wait3A_208 = tpu.memref_slice %arg2[%dma_wait3A_206, %dma_wait3A_207] : memref<50000x128xf32, #tpu.memory_space<hbm>> -> memref<50000x128xf32, #tpu.memory_space<hbm>>
    tpu.wait_indirect_dma semaphore(%arg14 : memref<!tpu.dma_semaphore, #tpu.memory_space<semaphore_mem>>) src(%dma_wait3A_208 : memref<50000x128xf32, #tpu.memory_space<hbm>>) dst(%dma_wait3A_202 : memref<128x128xf32, #tpu.memory_space<vmem>>)
    %dma_start3A_209 = arith.constant 0 : i32
    %dma_start3A_210 = arith.constant 0 : i32
    %dma_start3A_211 = arith.constant 0 : i32
    %dma_start3A_212 = arith.constant 0 : i32
    %dma_start3A_213 = tpu.memref_slice %arg9[%dma_start3A_209, %dma_start3A_211, %dma_start3A_212] : memref<2x128x128xf32, #tpu.memory_space<vmem>> -> memref<1x128x128xf32, #tpu.memory_space<vmem>>
    %dma_start3A_214 = tpu.memref_squeeze %dma_start3A_213 : memref<1x128x128xf32, #tpu.memory_space<vmem>> -> memref<128x128xf32, #tpu.memory_space<vmem>>
    %dma_start3A_215 = arith.constant 0 : i32
    %dma_start3A_216 = tpu.memref_slice %arg8[%dma_start3A_210, %dma_start3A_215] : memref<2x128xi32, #tpu.memory_space<vmem>> -> memref<1x128xi32, #tpu.memory_space<vmem>>
    %dma_start3A_217 = tpu.memref_squeeze %dma_start3A_216 : memref<1x128xi32, #tpu.memory_space<vmem>> -> memref<128xi32, #tpu.memory_space<vmem>>
    %dma_start3A_218 = arith.constant 0 : i32
    %dma_start3A_219 = arith.constant 0 : i32
    %dma_start3A_220 = tpu.memref_slice %arg12[%dma_start3A_218, %dma_start3A_219] : memref<10000x128xf32, #tpu.memory_space<vmem_shared>> -> memref<10000x128xf32, #tpu.memory_space<vmem_shared>>
    tpu.enqueue_indirect_dma source(%dma_start3A_214 : memref<128x128xf32, #tpu.memory_space<vmem>>) target(%dma_start3A_220 : memref<10000x128xf32, #tpu.memory_space<vmem_shared>>) offsets(%dma_start3A_217 : memref<128xi32, #tpu.memory_space<vmem>>) semaphore(%arg16 : memref<!tpu.dma_semaphore, #tpu.memory_space<semaphore_mem>>) {add = true}
    %run_scoped3A_221 = arith.constant 0 : i32
    "tpu.region"() ({
      %run_scoped3A_287 = tpu.sem_alloc : memref<!tpu.dma_semaphore, #tpu.memory_space<semaphore_mem>>
      %dma_start3A_288 = arith.constant 0 : i32
      %dma_start3A_289 = tpu.memref_slice %arg8[%run_scoped3A_221, %dma_start3A_288] : memref<2x128xi32, #tpu.memory_space<vmem>> -> memref<1x128xi32, #tpu.memory_space<vmem>>
      %dma_start3A_290 = tpu.memref_squeeze %dma_start3A_289 : memref<1x128xi32, #tpu.memory_space<vmem>> -> memref<128xi32, #tpu.memory_space<vmem>>
      %dma_start3A_291 = arith.constant 0 : i32
      %dma_start3A_292 = tpu.memref_slice %arg13[%dma_start3A_291] : memref<10000xf32, #tpu.memory_space<vmem_shared>> -> memref<10000xf32, #tpu.memory_space<vmem_shared>>
      tpu.enqueue_indirect_dma source(%arg10 : memref<128xf32, #tpu.memory_space<vmem>>) target(%dma_start3A_292 : memref<10000xf32, #tpu.memory_space<vmem_shared>>) offsets(%dma_start3A_290 : memref<128xi32, #tpu.memory_space<vmem>>) semaphore(%run_scoped3A_287 : memref<!tpu.dma_semaphore, #tpu.memory_space<semaphore_mem>>) {add = true}
      %dma_wait3A_293 = arith.constant 0 : i32
      %dma_wait3A_294 = tpu.memref_slice %arg8[%run_scoped3A_221, %dma_wait3A_293] : memref<2x128xi32, #tpu.memory_space<vmem>> -> memref<1x128xi32, #tpu.memory_space<vmem>>
      %dma_wait3A_295 = tpu.memref_squeeze %dma_wait3A_294 : memref<1x128xi32, #tpu.memory_space<vmem>> -> memref<128xi32, #tpu.memory_space<vmem>>
      %dma_wait3A_296 = arith.constant 0 : i32
      %dma_wait3A_297 = tpu.memref_slice %arg13[%dma_wait3A_296] : memref<10000xf32, #tpu.memory_space<vmem_shared>> -> memref<10000xf32, #tpu.memory_space<vmem_shared>>
      tpu.wait_indirect_dma semaphore(%run_scoped3A_287 : memref<!tpu.dma_semaphore, #tpu.memory_space<semaphore_mem>>) src(%arg10 : memref<128xf32, #tpu.memory_space<vmem>>) dst(%dma_wait3A_297 : memref<10000xf32, #tpu.memory_space<vmem_shared>>)
      tpu.yield
    }) : () -> ()
    %dma_wait3A_222 = arith.constant 0 : i32
    %dma_wait3A_223 = arith.constant 0 : i32
    %dma_wait3A_224 = arith.constant 0 : i32
    %dma_wait3A_225 = arith.constant 0 : i32
    %dma_wait3A_226 = tpu.memref_slice %arg9[%dma_wait3A_222, %dma_wait3A_224, %dma_wait3A_225] : memref<2x128x128xf32, #tpu.memory_space<vmem>> -> memref<1x128x128xf32, #tpu.memory_space<vmem>>
    %dma_wait3A_227 = tpu.memref_squeeze %dma_wait3A_226 : memref<1x128x128xf32, #tpu.memory_space<vmem>> -> memref<128x128xf32, #tpu.memory_space<vmem>>
    %dma_wait3A_228 = arith.constant 0 : i32
    %dma_wait3A_229 = tpu.memref_slice %arg8[%dma_wait3A_223, %dma_wait3A_228] : memref<2x128xi32, #tpu.memory_space<vmem>> -> memref<1x128xi32, #tpu.memory_space<vmem>>
    %dma_wait3A_230 = tpu.memref_squeeze %dma_wait3A_229 : memref<1x128xi32, #tpu.memory_space<vmem>> -> memref<128xi32, #tpu.memory_space<vmem>>
    %dma_wait3A_231 = arith.constant 0 : i32
    %dma_wait3A_232 = arith.constant 0 : i32
    %dma_wait3A_233 = tpu.memref_slice %arg12[%dma_wait3A_231, %dma_wait3A_232] : memref<10000x128xf32, #tpu.memory_space<vmem_shared>> -> memref<10000x128xf32, #tpu.memory_space<vmem_shared>>
    tpu.wait_indirect_dma semaphore(%arg16 : memref<!tpu.dma_semaphore, #tpu.memory_space<semaphore_mem>>) src(%dma_wait3A_227 : memref<128x128xf32, #tpu.memory_space<vmem>>) dst(%dma_wait3A_233 : memref<10000x128xf32, #tpu.memory_space<vmem_shared>>)
    %dma_wait3A_234 = arith.constant 1 : i32
    %dma_wait3A_235 = arith.constant 1 : i32
    %dma_wait3A_236 = arith.constant 0 : i32
    %dma_wait3A_237 = arith.constant 0 : i32
    %dma_wait3A_238 = tpu.memref_slice %arg9[%dma_wait3A_235, %dma_wait3A_236, %dma_wait3A_237] : memref<2x128x128xf32, #tpu.memory_space<vmem>> -> memref<1x128x128xf32, #tpu.memory_space<vmem>>
    %dma_wait3A_239 = tpu.memref_squeeze %dma_wait3A_238 : memref<1x128x128xf32, #tpu.memory_space<vmem>> -> memref<128x128xf32, #tpu.memory_space<vmem>>
    %dma_wait3A_240 = arith.constant 0 : i32
    %dma_wait3A_241 = tpu.memref_slice %arg7[%dma_wait3A_234, %dma_wait3A_240] : memref<2x128xi32, #tpu.memory_space<vmem>> -> memref<1x128xi32, #tpu.memory_space<vmem>>
    %dma_wait3A_242 = tpu.memref_squeeze %dma_wait3A_241 : memref<1x128xi32, #tpu.memory_space<vmem>> -> memref<128xi32, #tpu.memory_space<vmem>>
    %dma_wait3A_243 = arith.constant 0 : i32
    %dma_wait3A_244 = arith.constant 0 : i32
    %dma_wait3A_245 = tpu.memref_slice %arg2[%dma_wait3A_243, %dma_wait3A_244] : memref<50000x128xf32, #tpu.memory_space<hbm>> -> memref<50000x128xf32, #tpu.memory_space<hbm>>
    tpu.wait_indirect_dma semaphore(%arg15 : memref<!tpu.dma_semaphore, #tpu.memory_space<semaphore_mem>>) src(%dma_wait3A_245 : memref<50000x128xf32, #tpu.memory_space<hbm>>) dst(%dma_wait3A_239 : memref<128x128xf32, #tpu.memory_space<vmem>>)
    %dma_start3A_246 = arith.constant 1 : i32
    %dma_start3A_247 = arith.constant 1 : i32
    %dma_start3A_248 = arith.constant 0 : i32
    %dma_start3A_249 = arith.constant 0 : i32
    %dma_start3A_250 = tpu.memref_slice %arg9[%dma_start3A_246, %dma_start3A_248, %dma_start3A_249] : memref<2x128x128xf32, #tpu.memory_space<vmem>> -> memref<1x128x128xf32, #tpu.memory_space<vmem>>
    %dma_start3A_251 = tpu.memref_squeeze %dma_start3A_250 : memref<1x128x128xf32, #tpu.memory_space<vmem>> -> memref<128x128xf32, #tpu.memory_space<vmem>>
    %dma_start3A_252 = arith.constant 0 : i32
    %dma_start3A_253 = tpu.memref_slice %arg8[%dma_start3A_247, %dma_start3A_252] : memref<2x128xi32, #tpu.memory_space<vmem>> -> memref<1x128xi32, #tpu.memory_space<vmem>>
    %dma_start3A_254 = tpu.memref_squeeze %dma_start3A_253 : memref<1x128xi32, #tpu.memory_space<vmem>> -> memref<128xi32, #tpu.memory_space<vmem>>
    %dma_start3A_255 = arith.constant 0 : i32
    %dma_start3A_256 = arith.constant 0 : i32
    %dma_start3A_257 = tpu.memref_slice %arg12[%dma_start3A_255, %dma_start3A_256] : memref<10000x128xf32, #tpu.memory_space<vmem_shared>> -> memref<10000x128xf32, #tpu.memory_space<vmem_shared>>
    tpu.enqueue_indirect_dma source(%dma_start3A_251 : memref<128x128xf32, #tpu.memory_space<vmem>>) target(%dma_start3A_257 : memref<10000x128xf32, #tpu.memory_space<vmem_shared>>) offsets(%dma_start3A_254 : memref<128xi32, #tpu.memory_space<vmem>>) semaphore(%arg17 : memref<!tpu.dma_semaphore, #tpu.memory_space<semaphore_mem>>) {add = true}
    %run_scoped3A_258 = arith.constant 1 : i32
    "tpu.region"() ({
      %run_scoped3A_287 = tpu.sem_alloc : memref<!tpu.dma_semaphore, #tpu.memory_space<semaphore_mem>>
      %dma_start3A_288 = arith.constant 0 : i32
      %dma_start3A_289 = tpu.memref_slice %arg8[%run_scoped3A_258, %dma_start3A_288] : memref<2x128xi32, #tpu.memory_space<vmem>> -> memref<1x128xi32, #tpu.memory_space<vmem>>
      %dma_start3A_290 = tpu.memref_squeeze %dma_start3A_289 : memref<1x128xi32, #tpu.memory_space<vmem>> -> memref<128xi32, #tpu.memory_space<vmem>>
      %dma_start3A_291 = arith.constant 0 : i32
      %dma_start3A_292 = tpu.memref_slice %arg13[%dma_start3A_291] : memref<10000xf32, #tpu.memory_space<vmem_shared>> -> memref<10000xf32, #tpu.memory_space<vmem_shared>>
      tpu.enqueue_indirect_dma source(%arg10 : memref<128xf32, #tpu.memory_space<vmem>>) target(%dma_start3A_292 : memref<10000xf32, #tpu.memory_space<vmem_shared>>) offsets(%dma_start3A_290 : memref<128xi32, #tpu.memory_space<vmem>>) semaphore(%run_scoped3A_287 : memref<!tpu.dma_semaphore, #tpu.memory_space<semaphore_mem>>) {add = true}
      %dma_wait3A_293 = arith.constant 0 : i32
      %dma_wait3A_294 = tpu.memref_slice %arg8[%run_scoped3A_258, %dma_wait3A_293] : memref<2x128xi32, #tpu.memory_space<vmem>> -> memref<1x128xi32, #tpu.memory_space<vmem>>
      %dma_wait3A_295 = tpu.memref_squeeze %dma_wait3A_294 : memref<1x128xi32, #tpu.memory_space<vmem>> -> memref<128xi32, #tpu.memory_space<vmem>>
      %dma_wait3A_296 = arith.constant 0 : i32
      %dma_wait3A_297 = tpu.memref_slice %arg13[%dma_wait3A_296] : memref<10000xf32, #tpu.memory_space<vmem_shared>> -> memref<10000xf32, #tpu.memory_space<vmem_shared>>
      tpu.wait_indirect_dma semaphore(%run_scoped3A_287 : memref<!tpu.dma_semaphore, #tpu.memory_space<semaphore_mem>>) src(%arg10 : memref<128xf32, #tpu.memory_space<vmem>>) dst(%dma_wait3A_297 : memref<10000xf32, #tpu.memory_space<vmem_shared>>)
      tpu.yield
    }) : () -> ()
    %dma_wait3A_259 = arith.constant 1 : i32
    %dma_wait3A_260 = arith.constant 1 : i32
    %dma_wait3A_261 = arith.constant 0 : i32
    %dma_wait3A_262 = arith.constant 0 : i32
    %dma_wait3A_263 = tpu.memref_slice %arg9[%dma_wait3A_259, %dma_wait3A_261, %dma_wait3A_262] : memref<2x128x128xf32, #tpu.memory_space<vmem>> -> memref<1x128x128xf32, #tpu.memory_space<vmem>>
    %dma_wait3A_264 = tpu.memref_squeeze %dma_wait3A_263 : memref<1x128x128xf32, #tpu.memory_space<vmem>> -> memref<128x128xf32, #tpu.memory_space<vmem>>
    %dma_wait3A_265 = arith.constant 0 : i32
    %dma_wait3A_266 = tpu.memref_slice %arg8[%dma_wait3A_260, %dma_wait3A_265] : memref<2x128xi32, #tpu.memory_space<vmem>> -> memref<1x128xi32, #tpu.memory_space<vmem>>
    %dma_wait3A_267 = tpu.memref_squeeze %dma_wait3A_266 : memref<1x128xi32, #tpu.memory_space<vmem>> -> memref<128xi32, #tpu.memory_space<vmem>>
    %dma_wait3A_268 = arith.constant 0 : i32
    %dma_wait3A_269 = arith.constant 0 : i32
    %dma_wait3A_270 = tpu.memref_slice %arg12[%dma_wait3A_268, %dma_wait3A_269] : memref<10000x128xf32, #tpu.memory_space<vmem_shared>> -> memref<10000x128xf32, #tpu.memory_space<vmem_shared>>
    tpu.wait_indirect_dma semaphore(%arg17 : memref<!tpu.dma_semaphore, #tpu.memory_space<semaphore_mem>>) src(%dma_wait3A_264 : memref<128x128xf32, #tpu.memory_space<vmem>>) dst(%dma_wait3A_270 : memref<10000x128xf32, #tpu.memory_space<vmem_shared>>)
    %lt3A_271 = arith.constant 4 : i32
    %lt3A_272 = arith.cmpi slt, %add3A, %lt3A_271 : i32
    %convert_element_type3A_273 = arith.extui %lt3A_272 : i1 to i32
    %cond3A_274 = arith.constant 0 : i32
    %cond3A_275 = arith.cmpi ne, %convert_element_type3A_273, %cond3A_274 : i32
    scf.if %cond3A_275 {
      %add3A_287 = arith.constant 2496 : i32
      %add3A_288 = arith.addi %add3A_287, %add3A : i32
      %mul3A_289 = arith.constant 128 : i32
      %mul3A_290 = arith.muli %add3A_288, %mul3A_289 : i32
      %run_scoped3A_291 = arith.constant 0 : i32
      "tpu.region"() ({
        %run_scoped3A_320 = tpu.sem_alloc : memref<!tpu.dma_semaphore, #tpu.memory_space<semaphore_mem>>
        %dma_start3A_321 = arith.constant 0 : i32
        %dma_start3A_322 = tpu.memref_slice %arg7[%run_scoped3A_291, %dma_start3A_321] : memref<2x128xi32, #tpu.memory_space<vmem>> -> memref<1x128xi32, #tpu.memory_space<vmem>>
        %dma_start3A_323 = tpu.memref_squeeze %dma_start3A_322 : memref<1x128xi32, #tpu.memory_space<vmem>> -> memref<128xi32, #tpu.memory_space<vmem>>
        %dma_start3A_324 = tpu.memref_slice %arg3[%mul3A_290] : memref<320000xi32, #tpu.memory_space<hbm>> -> memref<128xi32, #tpu.memory_space<hbm>>
        %dma_start3A_325 = arith.constant 0 : i32
        %dma_start3A_326 = tpu.memref_slice %arg7[%run_scoped3A_291, %dma_start3A_325] : memref<2x128xi32, #tpu.memory_space<vmem>> -> memref<1x128xi32, #tpu.memory_space<vmem>>
        %dma_start3A_327 = tpu.memref_squeeze %dma_start3A_326 : memref<1x128xi32, #tpu.memory_space<vmem>> -> memref<128xi32, #tpu.memory_space<vmem>>
        %dma_start3A_328 = tpu.memref_slice %arg3[%mul3A_290] : memref<320000xi32, #tpu.memory_space<hbm>> -> memref<128xi32, #tpu.memory_space<hbm>>
        tpu.enqueue_dma source(%dma_start3A_328 : memref<128xi32, #tpu.memory_space<hbm>>) target(%dma_start3A_327 : memref<128xi32, #tpu.memory_space<vmem>>) target_semaphore(%run_scoped3A_320 : memref<!tpu.dma_semaphore, #tpu.memory_space<semaphore_mem>>)
        %dma_wait3A_329 = arith.constant 0 : i32
        %dma_wait3A_330 = tpu.memref_slice %arg7[%run_scoped3A_291, %dma_wait3A_329] : memref<2x128xi32, #tpu.memory_space<vmem>> -> memref<1x128xi32, #tpu.memory_space<vmem>>
        %dma_wait3A_331 = tpu.memref_squeeze %dma_wait3A_330 : memref<1x128xi32, #tpu.memory_space<vmem>> -> memref<128xi32, #tpu.memory_space<vmem>>
        %dma_wait3A_332 = tpu.memref_slice %arg3[%mul3A_290] : memref<320000xi32, #tpu.memory_space<hbm>> -> memref<128xi32, #tpu.memory_space<hbm>>
        %dma_wait3A_333 = arith.constant 0 : i32
        %dma_wait3A_334 = tpu.memref_slice %arg7[%run_scoped3A_291, %dma_wait3A_333] : memref<2x128xi32, #tpu.memory_space<vmem>> -> memref<1x128xi32, #tpu.memory_space<vmem>>
        %dma_wait3A_335 = tpu.memref_squeeze %dma_wait3A_334 : memref<1x128xi32, #tpu.memory_space<vmem>> -> memref<128xi32, #tpu.memory_space<vmem>>
        %dma_wait3A_336 = tpu.memref_slice %arg3[%mul3A_290] : memref<320000xi32, #tpu.memory_space<hbm>> -> memref<128xi32, #tpu.memory_space<hbm>>
        tpu.wait_dma2 semaphore(%run_scoped3A_320 : memref<!tpu.dma_semaphore, #tpu.memory_space<semaphore_mem>>) src(%dma_wait3A_336 : memref<128xi32, #tpu.memory_space<hbm>>) dst(%dma_wait3A_335 : memref<128xi32, #tpu.memory_space<vmem>>)
        tpu.yield
      }) : () -> ()
      %run_scoped3A_292 = arith.constant 0 : i32
      "tpu.region"() ({
        %run_scoped3A_320 = tpu.sem_alloc : memref<!tpu.dma_semaphore, #tpu.memory_space<semaphore_mem>>
        %dma_start3A_321 = arith.constant 0 : i32
        %dma_start3A_322 = tpu.memref_slice %arg8[%run_scoped3A_292, %dma_start3A_321] : memref<2x128xi32, #tpu.memory_space<vmem>> -> memref<1x128xi32, #tpu.memory_space<vmem>>
        %dma_start3A_323 = tpu.memref_squeeze %dma_start3A_322 : memref<1x128xi32, #tpu.memory_space<vmem>> -> memref<128xi32, #tpu.memory_space<vmem>>
        %dma_start3A_324 = tpu.memref_slice %arg4[%mul3A_290] : memref<320000xi32, #tpu.memory_space<hbm>> -> memref<128xi32, #tpu.memory_space<hbm>>
        %dma_start3A_325 = arith.constant 0 : i32
        %dma_start3A_326 = tpu.memref_slice %arg8[%run_scoped3A_292, %dma_start3A_325] : memref<2x128xi32, #tpu.memory_space<vmem>> -> memref<1x128xi32, #tpu.memory_space<vmem>>
        %dma_start3A_327 = tpu.memref_squeeze %dma_start3A_326 : memref<1x128xi32, #tpu.memory_space<vmem>> -> memref<128xi32, #tpu.memory_space<vmem>>
        %dma_start3A_328 = tpu.memref_slice %arg4[%mul3A_290] : memref<320000xi32, #tpu.memory_space<hbm>> -> memref<128xi32, #tpu.memory_space<hbm>>
        tpu.enqueue_dma source(%dma_start3A_328 : memref<128xi32, #tpu.memory_space<hbm>>) target(%dma_start3A_327 : memref<128xi32, #tpu.memory_space<vmem>>) target_semaphore(%run_scoped3A_320 : memref<!tpu.dma_semaphore, #tpu.memory_space<semaphore_mem>>)
        %dma_wait3A_329 = arith.constant 0 : i32
        %dma_wait3A_330 = tpu.memref_slice %arg8[%run_scoped3A_292, %dma_wait3A_329] : memref<2x128xi32, #tpu.memory_space<vmem>> -> memref<1x128xi32, #tpu.memory_space<vmem>>
        %dma_wait3A_331 = tpu.memref_squeeze %dma_wait3A_330 : memref<1x128xi32, #tpu.memory_space<vmem>> -> memref<128xi32, #tpu.memory_space<vmem>>
        %dma_wait3A_332 = tpu.memref_slice %arg4[%mul3A_290] : memref<320000xi32, #tpu.memory_space<hbm>> -> memref<128xi32, #tpu.memory_space<hbm>>
        %dma_wait3A_333 = arith.constant 0 : i32
        %dma_wait3A_334 = tpu.memref_slice %arg8[%run_scoped3A_292, %dma_wait3A_333] : memref<2x128xi32, #tpu.memory_space<vmem>> -> memref<1x128xi32, #tpu.memory_space<vmem>>
        %dma_wait3A_335 = tpu.memref_squeeze %dma_wait3A_334 : memref<1x128xi32, #tpu.memory_space<vmem>> -> memref<128xi32, #tpu.memory_space<vmem>>
        %dma_wait3A_336 = tpu.memref_slice %arg4[%mul3A_290] : memref<320000xi32, #tpu.memory_space<hbm>> -> memref<128xi32, #tpu.memory_space<hbm>>
        tpu.wait_dma2 semaphore(%run_scoped3A_320 : memref<!tpu.dma_semaphore, #tpu.memory_space<semaphore_mem>>) src(%dma_wait3A_336 : memref<128xi32, #tpu.memory_space<hbm>>) dst(%dma_wait3A_335 : memref<128xi32, #tpu.memory_space<vmem>>)
        tpu.yield
      }) : () -> ()
      %dma_start3A_293 = arith.constant 0 : i32
      %dma_start3A_294 = arith.constant 0 : i32
      %dma_start3A_295 = arith.constant 0 : i32
      %dma_start3A_296 = arith.constant 0 : i32
      %dma_start3A_297 = tpu.memref_slice %arg9[%dma_start3A_294, %dma_start3A_295, %dma_start3A_296] : memref<2x128x128xf32, #tpu.memory_space<vmem>> -> memref<1x128x128xf32, #tpu.memory_space<vmem>>
      %dma_start3A_298 = tpu.memref_squeeze %dma_start3A_297 : memref<1x128x128xf32, #tpu.memory_space<vmem>> -> memref<128x128xf32, #tpu.memory_space<vmem>>
      %dma_start3A_299 = arith.constant 0 : i32
      %dma_start3A_300 = tpu.memref_slice %arg7[%dma_start3A_293, %dma_start3A_299] : memref<2x128xi32, #tpu.memory_space<vmem>> -> memref<1x128xi32, #tpu.memory_space<vmem>>
      %dma_start3A_301 = tpu.memref_squeeze %dma_start3A_300 : memref<1x128xi32, #tpu.memory_space<vmem>> -> memref<128xi32, #tpu.memory_space<vmem>>
      %dma_start3A_302 = arith.constant 0 : i32
      %dma_start3A_303 = arith.constant 0 : i32
      %dma_start3A_304 = tpu.memref_slice %arg2[%dma_start3A_302, %dma_start3A_303] : memref<50000x128xf32, #tpu.memory_space<hbm>> -> memref<50000x128xf32, #tpu.memory_space<hbm>>
      tpu.enqueue_indirect_dma source(%dma_start3A_304 : memref<50000x128xf32, #tpu.memory_space<hbm>>) target(%dma_start3A_298 : memref<128x128xf32, #tpu.memory_space<vmem>>) offsets(%dma_start3A_301 : memref<128xi32, #tpu.memory_space<vmem>>) semaphore(%arg14 : memref<!tpu.dma_semaphore, #tpu.memory_space<semaphore_mem>>)
      %dma_wait3A_305 = arith.constant 0 : i32
      %dma_wait3A_306 = arith.constant 0 : i32
      %dma_wait3A_307 = arith.constant 0 : i32
      %dma_wait3A_308 = arith.constant 0 : i32
      %dma_wait3A_309 = tpu.memref_slice %arg9[%dma_wait3A_306, %dma_wait3A_307, %dma_wait3A_308] : memref<2x128x128xf32, #tpu.memory_space<vmem>> -> memref<1x128x128xf32, #tpu.memory_space<vmem>>
      %dma_wait3A_310 = tpu.memref_squeeze %dma_wait3A_309 : memref<1x128x128xf32, #tpu.memory_space<vmem>> -> memref<128x128xf32, #tpu.memory_space<vmem>>
      %dma_wait3A_311 = arith.constant 0 : i32
      %dma_wait3A_312 = tpu.memref_slice %arg7[%dma_wait3A_305, %dma_wait3A_311] : memref<2x128xi32, #tpu.memory_space<vmem>> -> memref<1x128xi32, #tpu.memory_space<vmem>>
      %dma_wait3A_313 = tpu.memref_squeeze %dma_wait3A_312 : memref<1x128xi32, #tpu.memory_space<vmem>> -> memref<128xi32, #tpu.memory_space<vmem>>
      %dma_wait3A_314 = arith.constant 0 : i32
      %dma_wait3A_315 = arith.constant 0 : i32
      %dma_wait3A_316 = tpu.memref_slice %arg2[%dma_wait3A_314, %dma_wait3A_315] : memref<50000x128xf32, #tpu.memory_space<hbm>> -> memref<50000x128xf32, #tpu.memory_space<hbm>>
      tpu.wait_indirect_dma semaphore(%arg14 : memref<!tpu.dma_semaphore, #tpu.memory_space<semaphore_mem>>) src(%dma_wait3A_316 : memref<50000x128xf32, #tpu.memory_space<hbm>>) dst(%dma_wait3A_310 : memref<128x128xf32, #tpu.memory_space<vmem>>)
      %run_scoped3A_317 = arith.constant 0 : i32
      %run_scoped3A_318 = arith.constant 0 : i32
      "tpu.region"() ({
        %run_scoped3A_320 = tpu.sem_alloc : memref<!tpu.dma_semaphore, #tpu.memory_space<semaphore_mem>>
        %dma_start3A_321 = arith.constant 0 : i32
        %dma_start3A_322 = arith.constant 0 : i32
        %dma_start3A_323 = tpu.memref_slice %arg9[%run_scoped3A_317, %dma_start3A_321, %dma_start3A_322] : memref<2x128x128xf32, #tpu.memory_space<vmem>> -> memref<1x128x128xf32, #tpu.memory_space<vmem>>
        %dma_start3A_324 = tpu.memref_squeeze %dma_start3A_323 : memref<1x128x128xf32, #tpu.memory_space<vmem>> -> memref<128x128xf32, #tpu.memory_space<vmem>>
        %dma_start3A_325 = arith.constant 0 : i32
        %dma_start3A_326 = tpu.memref_slice %arg8[%run_scoped3A_318, %dma_start3A_325] : memref<2x128xi32, #tpu.memory_space<vmem>> -> memref<1x128xi32, #tpu.memory_space<vmem>>
        %dma_start3A_327 = tpu.memref_squeeze %dma_start3A_326 : memref<1x128xi32, #tpu.memory_space<vmem>> -> memref<128xi32, #tpu.memory_space<vmem>>
        %dma_start3A_328 = arith.constant 0 : i32
        %dma_start3A_329 = arith.constant 0 : i32
        %dma_start3A_330 = tpu.memref_slice %arg12[%dma_start3A_328, %dma_start3A_329] : memref<10000x128xf32, #tpu.memory_space<vmem_shared>> -> memref<10000x128xf32, #tpu.memory_space<vmem_shared>>
        tpu.enqueue_indirect_dma source(%dma_start3A_324 : memref<128x128xf32, #tpu.memory_space<vmem>>) target(%dma_start3A_330 : memref<10000x128xf32, #tpu.memory_space<vmem_shared>>) offsets(%dma_start3A_327 : memref<128xi32, #tpu.memory_space<vmem>>) semaphore(%run_scoped3A_320 : memref<!tpu.dma_semaphore, #tpu.memory_space<semaphore_mem>>) {add = true}
        %dma_wait3A_331 = arith.constant 0 : i32
        %dma_wait3A_332 = arith.constant 0 : i32
        %dma_wait3A_333 = tpu.memref_slice %arg9[%run_scoped3A_317, %dma_wait3A_331, %dma_wait3A_332] : memref<2x128x128xf32, #tpu.memory_space<vmem>> -> memref<1x128x128xf32, #tpu.memory_space<vmem>>
        %dma_wait3A_334 = tpu.memref_squeeze %dma_wait3A_333 : memref<1x128x128xf32, #tpu.memory_space<vmem>> -> memref<128x128xf32, #tpu.memory_space<vmem>>
        %dma_wait3A_335 = arith.constant 0 : i32
        %dma_wait3A_336 = tpu.memref_slice %arg8[%run_scoped3A_318, %dma_wait3A_335] : memref<2x128xi32, #tpu.memory_space<vmem>> -> memref<1x128xi32, #tpu.memory_space<vmem>>
        %dma_wait3A_337 = tpu.memref_squeeze %dma_wait3A_336 : memref<1x128xi32, #tpu.memory_space<vmem>> -> memref<128xi32, #tpu.memory_space<vmem>>
        %dma_wait3A_338 = arith.constant 0 : i32
        %dma_wait3A_339 = arith.constant 0 : i32
        %dma_wait3A_340 = tpu.memref_slice %arg12[%dma_wait3A_338, %dma_wait3A_339] : memref<10000x128xf32, #tpu.memory_space<vmem_shared>> -> memref<10000x128xf32, #tpu.memory_space<vmem_shared>>
        tpu.wait_indirect_dma semaphore(%run_scoped3A_320 : memref<!tpu.dma_semaphore, #tpu.memory_space<semaphore_mem>>) src(%dma_wait3A_334 : memref<128x128xf32, #tpu.memory_space<vmem>>) dst(%dma_wait3A_340 : memref<10000x128xf32, #tpu.memory_space<vmem_shared>>)
        tpu.yield
      }) : () -> ()
      %run_scoped3A_319 = arith.constant 0 : i32
      "tpu.region"() ({
        %run_scoped3A_320 = tpu.sem_alloc : memref<!tpu.dma_semaphore, #tpu.memory_space<semaphore_mem>>
        %dma_start3A_321 = arith.constant 0 : i32
        %dma_start3A_322 = tpu.memref_slice %arg8[%run_scoped3A_319, %dma_start3A_321] : memref<2x128xi32, #tpu.memory_space<vmem>> -> memref<1x128xi32, #tpu.memory_space<vmem>>
        %dma_start3A_323 = tpu.memref_squeeze %dma_start3A_322 : memref<1x128xi32, #tpu.memory_space<vmem>> -> memref<128xi32, #tpu.memory_space<vmem>>
        %dma_start3A_324 = arith.constant 0 : i32
        %dma_start3A_325 = tpu.memref_slice %arg13[%dma_start3A_324] : memref<10000xf32, #tpu.memory_space<vmem_shared>> -> memref<10000xf32, #tpu.memory_space<vmem_shared>>
        tpu.enqueue_indirect_dma source(%arg10 : memref<128xf32, #tpu.memory_space<vmem>>) target(%dma_start3A_325 : memref<10000xf32, #tpu.memory_space<vmem_shared>>) offsets(%dma_start3A_323 : memref<128xi32, #tpu.memory_space<vmem>>) semaphore(%run_scoped3A_320 : memref<!tpu.dma_semaphore, #tpu.memory_space<semaphore_mem>>) {add = true}
        %dma_wait3A_326 = arith.constant 0 : i32
        %dma_wait3A_327 = tpu.memref_slice %arg8[%run_scoped3A_319, %dma_wait3A_326] : memref<2x128xi32, #tpu.memory_space<vmem>> -> memref<1x128xi32, #tpu.memory_space<vmem>>
        %dma_wait3A_328 = tpu.memref_squeeze %dma_wait3A_327 : memref<1x128xi32, #tpu.memory_space<vmem>> -> memref<128xi32, #tpu.memory_space<vmem>>
        %dma_wait3A_329 = arith.constant 0 : i32
        %dma_wait3A_330 = tpu.memref_slice %arg13[%dma_wait3A_329] : memref<10000xf32, #tpu.memory_space<vmem_shared>> -> memref<10000xf32, #tpu.memory_space<vmem_shared>>
        tpu.wait_indirect_dma semaphore(%run_scoped3A_320 : memref<!tpu.dma_semaphore, #tpu.memory_space<semaphore_mem>>) src(%arg10 : memref<128xf32, #tpu.memory_space<vmem>>) dst(%dma_wait3A_330 : memref<10000xf32, #tpu.memory_space<vmem_shared>>)
        tpu.yield
      }) : () -> ()
    } else {
    }
    %barrier3A_276 = arith.constant 0 : index
    tpu.barrier barrier_id(%barrier3A_276)
    "tpu.region"() ({
      %run_scoped3A_287 = tpu.sem_alloc : memref<!tpu.dma_semaphore, #tpu.memory_space<semaphore_mem>>
      %dma_start3A_288 = arith.constant 0 : i32
      %dma_start3A_289 = tpu.memref_slice %arg5[%arg0, %mul3A_25, %dma_start3A_288] : memref<2x10000x128xf32, #tpu.memory_space<hbm>> -> memref<1x624x128xf32, #tpu.memory_space<hbm>>
      %dma_start3A_290 = tpu.memref_squeeze %dma_start3A_289 : memref<1x624x128xf32, #tpu.memory_space<hbm>> -> memref<624x128xf32, #tpu.memory_space<hbm>>
      %dma_start3A_291 = arith.constant 0 : i32
      %dma_start3A_292 = tpu.memref_slice %arg12[%mul3A_25, %dma_start3A_291] : memref<10000x128xf32, #tpu.memory_space<vmem_shared>> -> memref<624x128xf32, #tpu.memory_space<vmem_shared>>
      tpu.enqueue_dma source(%dma_start3A_292 : memref<624x128xf32, #tpu.memory_space<vmem_shared>>) target(%dma_start3A_290 : memref<624x128xf32, #tpu.memory_space<hbm>>) target_semaphore(%run_scoped3A_287 : memref<!tpu.dma_semaphore, #tpu.memory_space<semaphore_mem>>)
      %dma_wait3A_293 = arith.constant 0 : i32
      %dma_wait3A_294 = tpu.memref_slice %arg5[%arg0, %mul3A_25, %dma_wait3A_293] : memref<2x10000x128xf32, #tpu.memory_space<hbm>> -> memref<1x624x128xf32, #tpu.memory_space<hbm>>
      %dma_wait3A_295 = tpu.memref_squeeze %dma_wait3A_294 : memref<1x624x128xf32, #tpu.memory_space<hbm>> -> memref<624x128xf32, #tpu.memory_space<hbm>>
      %dma_wait3A_296 = arith.constant 0 : i32
      %dma_wait3A_297 = tpu.memref_slice %arg12[%mul3A_25, %dma_wait3A_296] : memref<10000x128xf32, #tpu.memory_space<vmem_shared>> -> memref<624x128xf32, #tpu.memory_space<vmem_shared>>
      tpu.wait_dma2 semaphore(%run_scoped3A_287 : memref<!tpu.dma_semaphore, #tpu.memory_space<semaphore_mem>>) src(%dma_wait3A_297 : memref<624x128xf32, #tpu.memory_space<vmem_shared>>) dst(%dma_wait3A_295 : memref<624x128xf32, #tpu.memory_space<hbm>>)
      tpu.yield
    }) : () -> ()
    %eq3A_277 = arith.constant 0 : i32
    %eq3A_278 = arith.cmpi eq, %arg1, %eq3A_277 : i32
    %convert_element_type3A_279 = arith.extui %eq3A_278 : i1 to i32
    %cond3A_280 = arith.constant 0 : i32
    %cond3A_281 = arith.cmpi ne, %convert_element_type3A_279, %cond3A_280 : i32
    scf.if %cond3A_281 {
      "tpu.region"() ({
        %run_scoped3A_287 = tpu.sem_alloc : memref<!tpu.dma_semaphore, #tpu.memory_space<semaphore_mem>>
        %dma_start3A_288 = arith.constant 9984 : i32
        %dma_start3A_289 = arith.constant 0 : i32
        %dma_start3A_290 = tpu.memref_slice %arg5[%arg0, %dma_start3A_288, %dma_start3A_289] : memref<2x10000x128xf32, #tpu.memory_space<hbm>> -> memref<1x16x128xf32, #tpu.memory_space<hbm>>
        %dma_start3A_291 = tpu.memref_squeeze %dma_start3A_290 : memref<1x16x128xf32, #tpu.memory_space<hbm>> -> memref<16x128xf32, #tpu.memory_space<hbm>>
        %dma_start3A_292 = arith.constant 9984 : i32
        %dma_start3A_293 = arith.constant 0 : i32
        %dma_start3A_294 = tpu.memref_slice %arg12[%dma_start3A_292, %dma_start3A_293] : memref<10000x128xf32, #tpu.memory_space<vmem_shared>> -> memref<16x128xf32, #tpu.memory_space<vmem_shared>>
        tpu.enqueue_dma source(%dma_start3A_294 : memref<16x128xf32, #tpu.memory_space<vmem_shared>>) target(%dma_start3A_291 : memref<16x128xf32, #tpu.memory_space<hbm>>) target_semaphore(%run_scoped3A_287 : memref<!tpu.dma_semaphore, #tpu.memory_space<semaphore_mem>>)
        %dma_wait3A_295 = arith.constant 9984 : i32
        %dma_wait3A_296 = arith.constant 0 : i32
        %dma_wait3A_297 = tpu.memref_slice %arg5[%arg0, %dma_wait3A_295, %dma_wait3A_296] : memref<2x10000x128xf32, #tpu.memory_space<hbm>> -> memref<1x16x128xf32, #tpu.memory_space<hbm>>
        %dma_wait3A_298 = tpu.memref_squeeze %dma_wait3A_297 : memref<1x16x128xf32, #tpu.memory_space<hbm>> -> memref<16x128xf32, #tpu.memory_space<hbm>>
        %dma_wait3A_299 = arith.constant 9984 : i32
        %dma_wait3A_300 = arith.constant 0 : i32
        %dma_wait3A_301 = tpu.memref_slice %arg12[%dma_wait3A_299, %dma_wait3A_300] : memref<10000x128xf32, #tpu.memory_space<vmem_shared>> -> memref<16x128xf32, #tpu.memory_space<vmem_shared>>
        tpu.wait_dma2 semaphore(%run_scoped3A_287 : memref<!tpu.dma_semaphore, #tpu.memory_space<semaphore_mem>>) src(%dma_wait3A_301 : memref<16x128xf32, #tpu.memory_space<vmem_shared>>) dst(%dma_wait3A_298 : memref<16x128xf32, #tpu.memory_space<hbm>>)
        tpu.yield
      }) : () -> ()
    } else {
    }
    %lt3A_282 = arith.constant 10 : i32
    %lt3A_283 = arith.cmpi slt, %arg1, %lt3A_282 : i32
    %convert_element_type3A_284 = arith.extui %lt3A_283 : i1 to i32
    %cond3A_285 = arith.constant 0 : i32
    %cond3A_286 = arith.cmpi ne, %convert_element_type3A_284, %cond3A_285 : i32
    scf.if %cond3A_286 {
      %mul3A_287 = arith.constant 1000 : i32
      %mul3A_288 = arith.muli %arg1, %mul3A_287 : i32
      "tpu.region"() ({
        %run_scoped3A_294 = tpu.sem_alloc : memref<!tpu.dma_semaphore, #tpu.memory_space<semaphore_mem>>
        %dma_start3A_295 = tpu.memref_slice %arg13[%mul3A_288] : memref<10000xf32, #tpu.memory_space<vmem_shared>> -> memref<1000xf32, #tpu.memory_space<vmem_shared>>
        %dma_start3A_296 = tpu.memref_slice %arg13[%mul3A_288] : memref<10000xf32, #tpu.memory_space<vmem_shared>> -> memref<1000xf32, #tpu.memory_space<vmem_shared>>
        tpu.enqueue_dma source(%dma_start3A_296 : memref<1000xf32, #tpu.memory_space<vmem_shared>>) target(%arg11 : memref<1000xf32, #tpu.memory_space<vmem>>) target_semaphore(%run_scoped3A_294 : memref<!tpu.dma_semaphore, #tpu.memory_space<semaphore_mem>>)
        %dma_wait3A_297 = tpu.memref_slice %arg13[%mul3A_288] : memref<10000xf32, #tpu.memory_space<vmem_shared>> -> memref<1000xf32, #tpu.memory_space<vmem_shared>>
        %dma_wait3A_298 = tpu.memref_slice %arg13[%mul3A_288] : memref<10000xf32, #tpu.memory_space<vmem_shared>> -> memref<1000xf32, #tpu.memory_space<vmem_shared>>
        tpu.wait_dma2 semaphore(%run_scoped3A_294 : memref<!tpu.dma_semaphore, #tpu.memory_space<semaphore_mem>>) src(%dma_wait3A_298 : memref<1000xf32, #tpu.memory_space<vmem_shared>>) dst(%arg11 : memref<1000xf32, #tpu.memory_space<vmem>>)
        tpu.yield
      }) : () -> ()
      %mul3A_289 = arith.constant 10000 : i32
      %mul3A_290 = arith.muli %arg0, %mul3A_289 : i32
      %mul3A_291 = arith.constant 1000 : i32
      %mul3A_292 = arith.muli %arg1, %mul3A_291 : i32
      %add3A_293 = arith.addi %mul3A_290, %mul3A_292 : i32
      "tpu.region"() ({
        %run_scoped3A_294 = tpu.sem_alloc : memref<!tpu.dma_semaphore, #tpu.memory_space<semaphore_mem>>
        %dma_start3A_295 = tpu.memref_slice %arg6[%add3A_293] : memref<20000xf32, #tpu.memory_space<hbm>> -> memref<1000xf32, #tpu.memory_space<hbm>>
        %dma_start3A_296 = tpu.memref_slice %arg6[%add3A_293] : memref<20000xf32, #tpu.memory_space<hbm>> -> memref<1000xf32, #tpu.memory_space<hbm>>
        tpu.enqueue_dma source(%arg11 : memref<1000xf32, #tpu.memory_space<vmem>>) target(%dma_start3A_296 : memref<1000xf32, #tpu.memory_space<hbm>>) target_semaphore(%run_scoped3A_294 : memref<!tpu.dma_semaphore, #tpu.memory_space<semaphore_mem>>)
        %dma_wait3A_297 = tpu.memref_slice %arg6[%add3A_293] : memref<20000xf32, #tpu.memory_space<hbm>> -> memref<1000xf32, #tpu.memory_space<hbm>>
        %dma_wait3A_298 = tpu.memref_slice %arg6[%add3A_293] : memref<20000xf32, #tpu.memory_space<hbm>> -> memref<1000xf32, #tpu.memory_space<hbm>>
        tpu.wait_dma2 semaphore(%run_scoped3A_294 : memref<!tpu.dma_semaphore, #tpu.memory_space<semaphore_mem>>) src(%arg11 : memref<1000xf32, #tpu.memory_space<vmem>>) dst(%dma_wait3A_298 : memref<1000xf32, #tpu.memory_space<hbm>>)
        tpu.yield
      }) : () -> ()
    } else {
    }
    return
  }
}

module attributes {stable_mosaic.version = 14 : i64} {
  func.func @_eidx_body(%arg0: memref<2500x128xi32, #tpu.memory_space<vmem>>, %arg1: memref<2500x128xi32, #tpu.memory_space<vmem>>, %arg2: memref<2500x128xi32, #tpu.memory_space<vmem>>) attributes {dimension_semantics = [], scalar_prefetch = 0 : i64, scratch_operands = 0 : i64, tpu.core_type = #tpu.core_type<tc>} {
    %get3A = arith.constant 0 : index
    %get3A_0 = arith.constant 0 : index
    %get3A_1 = vector.load %arg0[%get3A, %get3A_0] : memref<2500x128xi32, #tpu.memory_space<vmem>>, vector<2500x128xi32>
    %mul3A = arith.constant 10000 : i32
    %mul3A_2 = vector.broadcast %mul3A : i32 to vector<2500x128xi32>
    %mul3A_3 = arith.muli %get3A_1, %mul3A_2 : vector<2500x128xi32>
    %get3A_4 = arith.constant 0 : index
    %get3A_5 = arith.constant 0 : index
    %get3A_6 = vector.load %arg1[%get3A_4, %get3A_5] : memref<2500x128xi32, #tpu.memory_space<vmem>>, vector<2500x128xi32>
    %add3A = arith.addi %mul3A_3, %get3A_6 : vector<2500x128xi32>
    %swap3A = arith.constant 0 : index
    %swap3A_7 = arith.constant 0 : index
    %swap3A_8 = vector.load %arg2[%swap3A, %swap3A_7] : memref<2500x128xi32, #tpu.memory_space<vmem>>, vector<2500x128xi32>
    tpu.vector_store %arg2[%swap3A, %swap3A_7], %add3A {strides = array<i32>} : memref<2500x128xi32, #tpu.memory_space<vmem>>, vector<2500x128xi32>,
    return
  }
}

module attributes {stable_mosaic.version = 14 : i64} {
  func.func @_scale_table_body(%arg0: i32, %arg1: memref<5xf32, #tpu.memory_space<smem>>, %arg2: memref<10000x128xf32, #tpu.memory_space<vmem>>, %arg3: memref<1x10000x128xf32, #tpu.memory_space<vmem>>) attributes {dimension_semantics = [#tpu.dimension_semantics<arbitrary>], iteration_bounds = array<i64: 5>, scalar_prefetch = 0 : i64, scratch_operands = 0 : i64, tpu.core_type = #tpu.core_type<tc>, window_params = [{transform_indices = @transform_0, window_bounds = array<i64: 5>}, {pipeline_mode = #tpu.pipeline_mode<synchronous>, transform_indices = @transform_1, window_bounds = array<i64: 10000, 128>}, {transform_indices = @transform_2, window_bounds = array<i64: 1, 10000, 128>}]} {
    %get3A = arith.constant 0 : index
    %get3A_0 = arith.constant 0 : index
    %get3A_1 = vector.load %arg2[%get3A, %get3A_0] : memref<10000x128xf32, #tpu.memory_space<vmem>>, vector<10000x128xf32>
    %get3A_2 = arith.index_cast %arg0 : i32 to index
    %get3A_3 = memref.load %arg1[%get3A_2] : memref<5xf32, #tpu.memory_space<smem>>
    %mul3A = vector.broadcast %get3A_3 : f32 to vector<10000x128xf32>
    %mul3A_4 = arith.mulf %get3A_1, %mul3A : vector<10000x128xf32>
    %swap3A = arith.constant 0 : index
    %swap3A_5 = arith.constant 0 : index
    %swap3A_6 = arith.constant 0 : index
    %swap3A_7 = vector.load %arg3[%swap3A, %swap3A_5, %swap3A_6] : memref<1x10000x128xf32, #tpu.memory_space<vmem>>, vector<1x10000x128xf32>
    %swap3A_8 = vector.shape_cast %swap3A_7 : vector<1x10000x128xf32> to vector<10000x128xf32>
    %swap3A_9 = vector.shape_cast %mul3A_4 : vector<10000x128xf32> to vector<1x10000x128xf32>
    tpu.vector_store %arg3[%swap3A, %swap3A_5, %swap3A_6], %swap3A_9 {strides = array<i32>} : memref<1x10000x128xf32, #tpu.memory_space<vmem>>, vector<1x10000x128xf32>,
    return
  }
  func.func @transform_0(%arg0: i32) -> i32 {
    %c0_i32 = arith.constant 0 : i32
    %c0_i32_0 = arith.constant 0 : i32
    return %c0_i32 : i32
  }
  func.func @transform_1(%arg0: i32) -> (i32, i32) {
    %c0_i32 = arith.constant 0 : i32
    %c0_i32_0 = arith.constant 0 : i32
    %c0_i32_1 = arith.constant 0 : i32
    return %c0_i32, %c0_i32_0 : i32, i32
  }
  func.func @transform_2(%arg0: i32) -> (i32, i32, i32) {
    %c0_i32 = arith.constant 0 : i32
    %c0_i32_0 = arith.constant 0 : i32
    %c0_i32_1 = arith.constant 0 : i32
    return %arg0, %c0_i32, %c0_i32_0 : i32, i32, i32
  }
}

module attributes {stable_mosaic.version = 14 : i64} {
  func.func @_wfold_body(%arg0: memref<128x256xf32, #tpu.memory_space<vmem>>, %arg1: memref<256x256xf32, #tpu.memory_space<vmem>>, %arg2: memref<256x512xf32, #tpu.memory_space<vmem>>, %arg3: memref<128x256xf32, #tpu.memory_space<vmem>>, %arg4: memref<256x128xf32, #tpu.memory_space<vmem>>) attributes {dimension_semantics = [], scalar_prefetch = 0 : i64, scratch_operands = 0 : i64, tpu.core_type = #tpu.core_type<tc>} {
    %get3A = arith.constant 0 : index
    %get3A_0 = arith.constant 0 : index
    %get3A_1 = vector.load %arg0[%get3A, %get3A_0] : memref<128x256xf32, #tpu.memory_space<vmem>>, vector<128x256xf32>
    %get3A_2 = arith.constant 0 : index
    %get3A_3 = arith.constant 0 : index
    %get3A_4 = vector.load %arg1[%get3A_2, %get3A_3] : memref<256x256xf32, #tpu.memory_space<vmem>>, vector<256x256xf32>
    %dot_general3A = arith.constant dense<0.000000e+00> : vector<128x256xf32>
    %dot_general3A_5 = tpu.matmul %get3A_1, %get3A_4, %dot_general3A {dimension_numbers = #tpu.dot_dimension_numbers<[1], [0], [0], [1], [0, 0, 1, 1], [], []>, transpose_lhs_hint = false} : vector<128x256xf32>, vector<256x256xf32>, vector<128x256xf32> -> vector<128x256xf32>
    %swap3A = arith.constant 0 : index
    %swap3A_6 = arith.constant 0 : index
    %swap3A_7 = vector.load %arg3[%swap3A, %swap3A_6] : memref<128x256xf32, #tpu.memory_space<vmem>>, vector<128x256xf32>
    tpu.vector_store %arg3[%swap3A, %swap3A_6], %dot_general3A_5 {strides = array<i32>} : memref<128x256xf32, #tpu.memory_space<vmem>>, vector<128x256xf32>,
    %get3A_8 = arith.constant 0 : index
    %get3A_9 = arith.constant 0 : index
    %get3A_10 = vector.load %arg2[%get3A_8, %get3A_9] : memref<256x512xf32, #tpu.memory_space<vmem>>, vector<256x512xf32>
    %slice3A = vector.extract_strided_slice %get3A_10 {offsets = [0, 0], sizes = [256, 128], strides = [1, 1]} : vector<256x512xf32> to vector<256x128xf32>
    %slice3A_11 = vector.extract_strided_slice %get3A_10 {offsets = [0, 128], sizes = [256, 128], strides = [1, 1]} : vector<256x512xf32> to vector<256x128xf32>
    %add3A = arith.addf %slice3A, %slice3A_11 : vector<256x128xf32>
    %slice3A_12 = vector.extract_strided_slice %get3A_10 {offsets = [0, 256], sizes = [256, 128], strides = [1, 1]} : vector<256x512xf32> to vector<256x128xf32>
    %add3A_13 = arith.addf %add3A, %slice3A_12 : vector<256x128xf32>
    %slice3A_14 = vector.extract_strided_slice %get3A_10 {offsets = [0, 384], sizes = [256, 128], strides = [1, 1]} : vector<256x512xf32> to vector<256x128xf32>
    %add3A_15 = arith.addf %add3A_13, %slice3A_14 : vector<256x128xf32>
    %mul3A = arith.constant 2.500000e-01 : f32
    %mul3A_16 = vector.broadcast %mul3A : f32 to vector<256x128xf32>
    %mul3A_17 = arith.mulf %mul3A_16, %add3A_15 : vector<256x128xf32>
    %swap3A_18 = arith.constant 0 : index
    %swap3A_19 = arith.constant 0 : index
    %swap3A_20 = vector.load %arg4[%swap3A_18, %swap3A_19] : memref<256x128xf32, #tpu.memory_space<vmem>>, vector<256x128xf32>
    tpu.vector_store %arg4[%swap3A_18, %swap3A_19], %mul3A_17 {strides = array<i32>} : memref<256x128xf32, #tpu.memory_space<vmem>>, vector<256x128xf32>,
    return
  }
}

module attributes {stable_mosaic.version = 14 : i64} {
  func.func @_dense1_body(%arg0: i32, %arg1: memref<1000x128xf32, #tpu.memory_space<vmem>>, %arg2: memref<128x256xf32, #tpu.memory_space<vmem>>, %arg3: memref<1x256xf32, #tpu.memory_space<vmem>>, %arg4: memref<256x256xf32, #tpu.memory_space<vmem>>, %arg5: memref<1x256xf32, #tpu.memory_space<vmem>>, %arg6: memref<1000x256xf32, #tpu.memory_space<vmem>>) attributes {dimension_semantics = [#tpu.dimension_semantics<arbitrary>], iteration_bounds = array<i64: 10>, scalar_prefetch = 0 : i64, scratch_operands = 0 : i64, tpu.core_type = #tpu.core_type<tc>, window_params = [{transform_indices = @transform_0, window_bounds = array<i64: 1000, 128>}, {pipeline_mode = #tpu.pipeline_mode<synchronous>, transform_indices = @transform_1, window_bounds = array<i64: 128, 256>}, {pipeline_mode = #tpu.pipeline_mode<synchronous>, transform_indices = @transform_2, window_bounds = array<i64: 1, 256>}, {pipeline_mode = #tpu.pipeline_mode<synchronous>, transform_indices = @transform_3, window_bounds = array<i64: 256, 256>}, {pipeline_mode = #tpu.pipeline_mode<synchronous>, transform_indices = @transform_4, window_bounds = array<i64: 1, 256>}, {transform_indices = @transform_5, window_bounds = array<i64: 1000, 256>}]} {
    %get3A = arith.constant 0 : index
    %get3A_0 = arith.constant 0 : index
    %get3A_1 = vector.load %arg1[%get3A, %get3A_0] : memref<1000x128xf32, #tpu.memory_space<vmem>>, vector<1000x128xf32>
    %get3A_2 = arith.constant 0 : index
    %get3A_3 = arith.constant 0 : index
    %get3A_4 = vector.load %arg2[%get3A_2, %get3A_3] : memref<128x256xf32, #tpu.memory_space<vmem>>, vector<128x256xf32>
    %dot_general3A = arith.constant dense<0.000000e+00> : vector<1000x256xf32>
    %dot_general3A_5 = tpu.matmul %get3A_1, %get3A_4, %dot_general3A {dimension_numbers = #tpu.dot_dimension_numbers<[1], [0], [0], [1], [0, 0, 1, 1], [], []>, transpose_lhs_hint = false} : vector<1000x128xf32>, vector<128x256xf32>, vector<1000x256xf32> -> vector<1000x256xf32>
    %get3A_6 = arith.constant 0 : index
    %get3A_7 = arith.constant 0 : index
    %get3A_8 = vector.load %arg3[%get3A_6, %get3A_7] : memref<1x256xf32, #tpu.memory_space<vmem>>, vector<1x256xf32>
    %add3A = vector.broadcast %get3A_8 : vector<1x256xf32> to vector<1000x256xf32>
    %add3A_9 = arith.addf %dot_general3A_5, %add3A : vector<1000x256xf32>
    %get3A_10 = arith.constant 0 : index
    %get3A_11 = arith.constant 0 : index
    %get3A_12 = vector.load %arg4[%get3A_10, %get3A_11] : memref<256x256xf32, #tpu.memory_space<vmem>>, vector<256x256xf32>
    %dot_general3A_13 = arith.constant dense<0.000000e+00> : vector<1000x256xf32>
    %dot_general3A_14 = tpu.matmul %add3A_9, %get3A_12, %dot_general3A_13 {dimension_numbers = #tpu.dot_dimension_numbers<[1], [0], [0], [1], [0, 0, 1, 1], [], []>, transpose_lhs_hint = false} : vector<1000x256xf32>, vector<256x256xf32>, vector<1000x256xf32> -> vector<1000x256xf32>
    %get3A_15 = arith.constant 0 : index
    %get3A_16 = arith.constant 0 : index
    %get3A_17 = vector.load %arg5[%get3A_15, %get3A_16] : memref<1x256xf32, #tpu.memory_space<vmem>>, vector<1x256xf32>
    %add3A_18 = vector.broadcast %get3A_17 : vector<1x256xf32> to vector<1000x256xf32>
    %add3A_19 = arith.addf %dot_general3A_14, %add3A_18 : vector<1000x256xf32>
    %swap3A = arith.constant 0 : index
    %swap3A_20 = arith.constant 0 : index
    %swap3A_21 = vector.load %arg6[%swap3A, %swap3A_20] : memref<1000x256xf32, #tpu.memory_space<vmem>>, vector<1000x256xf32>
    tpu.vector_store %arg6[%swap3A, %swap3A_20], %add3A_19 {strides = array<i32>} : memref<1000x256xf32, #tpu.memory_space<vmem>>, vector<1000x256xf32>,
    return
  }
  func.func @transform_0(%arg0: i32) -> (i32, i32) {
    %c0_i32 = arith.constant 0 : i32
    %c0_i32_0 = arith.constant 0 : i32
    return %arg0, %c0_i32 : i32, i32
  }
  func.func @transform_1(%arg0: i32) -> (i32, i32) {
    %c0_i32 = arith.constant 0 : i32
    %c0_i32_0 = arith.constant 0 : i32
    %c0_i32_1 = arith.constant 0 : i32
    return %c0_i32, %c0_i32_0 : i32, i32
  }
  func.func @transform_2(%arg0: i32) -> (i32, i32) {
    %c0_i32 = arith.constant 0 : i32
    %c0_i32_0 = arith.constant 0 : i32
    %c0_i32_1 = arith.constant 0 : i32
    return %c0_i32, %c0_i32_0 : i32, i32
  }
  func.func @transform_3(%arg0: i32) -> (i32, i32) {
    %c0_i32 = arith.constant 0 : i32
    %c0_i32_0 = arith.constant 0 : i32
    %c0_i32_1 = arith.constant 0 : i32
    return %c0_i32, %c0_i32_0 : i32, i32
  }
  func.func @transform_4(%arg0: i32) -> (i32, i32) {
    %c0_i32 = arith.constant 0 : i32
    %c0_i32_0 = arith.constant 0 : i32
    %c0_i32_1 = arith.constant 0 : i32
    return %c0_i32, %c0_i32_0 : i32, i32
  }
  func.func @transform_5(%arg0: i32) -> (i32, i32) {
    %c0_i32 = arith.constant 0 : i32
    %c0_i32_0 = arith.constant 0 : i32
    return %arg0, %c0_i32 : i32, i32
  }
}

module attributes {stable_mosaic.version = 14 : i64} {
  func.func @_dense2_body(%arg0: i32, %arg1: memref<1000x256xf32, #tpu.memory_space<vmem>>, %arg2: memref<2x1000x128xf32, #tpu.memory_space<vmem>>, %arg3: memref<2x1000x1xf32, #tpu.memory_space<vmem>>, %arg4: memref<128x256xf32, #tpu.memory_space<vmem>>, %arg5: memref<1x256xf32, #tpu.memory_space<vmem>>, %arg6: memref<1x256xf32, #tpu.memory_space<vmem>>, %arg7: memref<256x128xf32, #tpu.memory_space<vmem>>, %arg8: memref<1x128xf32, #tpu.memory_space<vmem>>, %arg9: memref<1000x128xf32, #tpu.memory_space<vmem>>) attributes {dimension_semantics = [#tpu.dimension_semantics<arbitrary>], iteration_bounds = array<i64: 10>, scalar_prefetch = 0 : i64, scratch_operands = 0 : i64, tpu.core_type = #tpu.core_type<tc>, window_params = [{transform_indices = @transform_0, window_bounds = array<i64: 1000, 256>}, {transform_indices = @transform_1, window_bounds = array<i64: 2, 1000, 128>}, {transform_indices = @transform_2, window_bounds = array<i64: 2, 1000, 1>}, {pipeline_mode = #tpu.pipeline_mode<synchronous>, transform_indices = @transform_3, window_bounds = array<i64: 128, 256>}, {pipeline_mode = #tpu.pipeline_mode<synchronous>, transform_indices = @transform_4, window_bounds = array<i64: 1, 256>}, {pipeline_mode = #tpu.pipeline_mode<synchronous>, transform_indices = @transform_5, window_bounds = array<i64: 1, 256>}, {pipeline_mode = #tpu.pipeline_mode<synchronous>, transform_indices = @transform_6, window_bounds = array<i64: 256, 128>}, {pipeline_mode = #tpu.pipeline_mode<synchronous>, transform_indices = @transform_7, window_bounds = array<i64: 1, 128>}, {transform_indices = @transform_8, window_bounds = array<i64: 1000, 128>}]} {
    %get3A = arith.constant 0 : index
    %get3A_0 = arith.constant 0 : index
    %get3A_1 = arith.constant 0 : index
    %get3A_2 = vector.load %arg2[%get3A, %get3A_0, %get3A_1] : memref<2x1000x128xf32, #tpu.memory_space<vmem>>, vector<1x1000x128xf32>
    %get3A_3 = vector.shape_cast %get3A_2 : vector<1x1000x128xf32> to vector<1000x128xf32>
    %get3A_4 = arith.constant 1 : index
    %get3A_5 = arith.constant 0 : index
    %get3A_6 = arith.constant 0 : index
    %get3A_7 = vector.load %arg2[%get3A_4, %get3A_5, %get3A_6] : memref<2x1000x128xf32, #tpu.memory_space<vmem>>, vector<1x1000x128xf32>
    %get3A_8 = vector.shape_cast %get3A_7 : vector<1x1000x128xf32> to vector<1000x128xf32>
    %add3A = arith.addf %get3A_3, %get3A_8 : vector<1000x128xf32>
    %get3A_9 = arith.constant 0 : index
    %get3A_10 = arith.constant 0 : index
    %get3A_11 = arith.constant 0 : index
    %get3A_12 = vector.load %arg3[%get3A_9, %get3A_10, %get3A_11] : memref<2x1000x1xf32, #tpu.memory_space<vmem>>, vector<1x1000x1xf32>
    %get3A_13 = vector.shape_cast %get3A_12 : vector<1x1000x1xf32> to vector<1000x1xf32>
    %get3A_14 = arith.constant 1 : index
    %get3A_15 = arith.constant 0 : index
    %get3A_16 = arith.constant 0 : index
    %get3A_17 = vector.load %arg3[%get3A_14, %get3A_15, %get3A_16] : memref<2x1000x1xf32, #tpu.memory_space<vmem>>, vector<1x1000x1xf32>
    %get3A_18 = vector.shape_cast %get3A_17 : vector<1x1000x1xf32> to vector<1000x1xf32>
    %add3A_19 = arith.addf %get3A_13, %get3A_18 : vector<1000x1xf32>
    %max3A = arith.constant 1.000000e+00 : f32
    %max3A_20 = vector.broadcast %max3A : f32 to vector<1000x1xf32>
    %max3A_21 = arith.maximumf %add3A_19, %max3A_20 : vector<1000x1xf32>
    %div3A = vector.broadcast %max3A_21 : vector<1000x1xf32> to vector<1000x128xf32>
    %div3A_22 = arith.divf %add3A, %div3A : vector<1000x128xf32>
    %get3A_23 = arith.constant 0 : index
    %get3A_24 = arith.constant 0 : index
    %get3A_25 = vector.load %arg1[%get3A_23, %get3A_24] : memref<1000x256xf32, #tpu.memory_space<vmem>>, vector<1000x256xf32>
    %get3A_26 = arith.constant 0 : index
    %get3A_27 = arith.constant 0 : index
    %get3A_28 = vector.load %arg4[%get3A_26, %get3A_27] : memref<128x256xf32, #tpu.memory_space<vmem>>, vector<128x256xf32>
    %dot_general3A = arith.constant dense<0.000000e+00> : vector<1000x256xf32>
    %dot_general3A_29 = tpu.matmul %div3A_22, %get3A_28, %dot_general3A {dimension_numbers = #tpu.dot_dimension_numbers<[1], [0], [0], [1], [0, 0, 1, 1], [], []>, transpose_lhs_hint = false} : vector<1000x128xf32>, vector<128x256xf32>, vector<1000x256xf32> -> vector<1000x256xf32>
    %add3A_30 = arith.addf %get3A_25, %dot_general3A_29 : vector<1000x256xf32>
    %max3A_31 = arith.constant 0.000000e+00 : f32
    %max3A_32 = vector.broadcast %max3A_31 : f32 to vector<1000x256xf32>
    %max3A_33 = arith.maximumf %add3A_30, %max3A_32 : vector<1000x256xf32>
    %reduce_sum3A = arith.constant dense<0.000000e+00> : vector<1000xf32>
    %reduce_sum3A_34 = vector.multi_reduction <add>, %max3A_33, %reduce_sum3A [1] : vector<1000x256xf32> to vector<1000xf32>
    %broadcast_in_dim3A = vector.shape_cast %reduce_sum3A_34 : vector<1000xf32> to vector<1000x1xf32>
    %div3A_35 = arith.constant 2.560000e+02 : f32
    %div3A_36 = vector.broadcast %div3A_35 : f32 to vector<1000x1xf32>
    %div3A_37 = arith.divf %broadcast_in_dim3A, %div3A_36 : vector<1000x1xf32>
    %sub3A = vector.broadcast %div3A_37 : vector<1000x1xf32> to vector<1000x256xf32>
    %sub3A_38 = arith.subf %max3A_33, %sub3A : vector<1000x256xf32>
    %mul3A = arith.mulf %sub3A_38, %sub3A_38 : vector<1000x256xf32>
    %reduce_sum3A_39 = arith.constant dense<0.000000e+00> : vector<1000xf32>
    %reduce_sum3A_40 = vector.multi_reduction <add>, %mul3A, %reduce_sum3A_39 [1] : vector<1000x256xf32> to vector<1000xf32>
    %broadcast_in_dim3A_41 = vector.shape_cast %reduce_sum3A_40 : vector<1000xf32> to vector<1000x1xf32>
    %div3A_42 = arith.constant 2.560000e+02 : f32
    %div3A_43 = vector.broadcast %div3A_42 : f32 to vector<1000x1xf32>
    %div3A_44 = arith.divf %broadcast_in_dim3A_41, %div3A_43 : vector<1000x1xf32>
    %add3A_45 = arith.constant 9.99999974E-6 : f32
    %add3A_46 = vector.broadcast %add3A_45 : f32 to vector<1000x1xf32>
    %add3A_47 = arith.addf %div3A_44, %add3A_46 : vector<1000x1xf32>
    %rsqrt3A = math.rsqrt %add3A_47 : vector<1000x1xf32>
    %mul3A_48 = vector.broadcast %rsqrt3A : vector<1000x1xf32> to vector<1000x256xf32>
    %mul3A_49 = arith.mulf %sub3A_38, %mul3A_48 : vector<1000x256xf32>
    %get3A_50 = arith.constant 0 : index
    %get3A_51 = arith.constant 0 : index
    %get3A_52 = vector.load %arg5[%get3A_50, %get3A_51] : memref<1x256xf32, #tpu.memory_space<vmem>>, vector<1x256xf32>
    %mul3A_53 = vector.broadcast %get3A_52 : vector<1x256xf32> to vector<1000x256xf32>
    %mul3A_54 = arith.mulf %mul3A_49, %mul3A_53 : vector<1000x256xf32>
    %get3A_55 = arith.constant 0 : index
    %get3A_56 = arith.constant 0 : index
    %get3A_57 = vector.load %arg6[%get3A_55, %get3A_56] : memref<1x256xf32, #tpu.memory_space<vmem>>, vector<1x256xf32>
    %add3A_58 = vector.broadcast %get3A_57 : vector<1x256xf32> to vector<1000x256xf32>
    %add3A_59 = arith.addf %mul3A_54, %add3A_58 : vector<1000x256xf32>
    %get3A_60 = arith.constant 0 : index
    %get3A_61 = arith.constant 0 : index
    %get3A_62 = vector.load %arg7[%get3A_60, %get3A_61] : memref<256x128xf32, #tpu.memory_space<vmem>>, vector<256x128xf32>
    %dot_general3A_63 = arith.constant dense<0.000000e+00> : vector<1000x128xf32>
    %dot_general3A_64 = tpu.matmul %add3A_59, %get3A_62, %dot_general3A_63 {dimension_numbers = #tpu.dot_dimension_numbers<[1], [0], [0], [1], [0, 0, 1, 1], [], []>, transpose_lhs_hint = false} : vector<1000x256xf32>, vector<256x128xf32>, vector<1000x128xf32> -> vector<1000x128xf32>
    %get3A_65 = arith.constant 0 : index
    %get3A_66 = arith.constant 0 : index
    %get3A_67 = vector.load %arg8[%get3A_65, %get3A_66] : memref<1x128xf32, #tpu.memory_space<vmem>>, vector<1x128xf32>
    %add3A_68 = vector.broadcast %get3A_67 : vector<1x128xf32> to vector<1000x128xf32>
    %add3A_69 = arith.addf %dot_general3A_64, %add3A_68 : vector<1000x128xf32>
    %mul3A_70 = arith.mulf %add3A_69, %add3A_69 : vector<1000x128xf32>
    %reduce_sum3A_71 = arith.constant dense<0.000000e+00> : vector<1000xf32>
    %reduce_sum3A_72 = vector.multi_reduction <add>, %mul3A_70, %reduce_sum3A_71 [1] : vector<1000x128xf32> to vector<1000xf32>
    %broadcast_in_dim3A_73 = vector.shape_cast %reduce_sum3A_72 : vector<1000xf32> to vector<1000x1xf32>
    %sqrt3A = math.sqrt %broadcast_in_dim3A_73 : vector<1000x1xf32>
    %max3A_74 = arith.constant 9.99999996E-13 : f32
    %max3A_75 = vector.broadcast %max3A_74 : f32 to vector<1000x1xf32>
    %max3A_76 = arith.maximumf %sqrt3A, %max3A_75 : vector<1000x1xf32>
    %div3A_77 = vector.broadcast %max3A_76 : vector<1000x1xf32> to vector<1000x128xf32>
    %div3A_78 = arith.divf %add3A_69, %div3A_77 : vector<1000x128xf32>
    %swap3A = arith.constant 0 : index
    %swap3A_79 = arith.constant 0 : index
    %swap3A_80 = vector.load %arg9[%swap3A, %swap3A_79] : memref<1000x128xf32, #tpu.memory_space<vmem>>, vector<1000x128xf32>
    tpu.vector_store %arg9[%swap3A, %swap3A_79], %div3A_78 {strides = array<i32>} : memref<1000x128xf32, #tpu.memory_space<vmem>>, vector<1000x128xf32>,
    return
  }
  func.func @transform_0(%arg0: i32) -> (i32, i32) {
    %c0_i32 = arith.constant 0 : i32
    %c0_i32_0 = arith.constant 0 : i32
    return %arg0, %c0_i32 : i32, i32
  }
  func.func @transform_1(%arg0: i32) -> (i32, i32, i32) {
    %c0_i32 = arith.constant 0 : i32
    %c0_i32_0 = arith.constant 0 : i32
    %c0_i32_1 = arith.constant 0 : i32
    return %c0_i32, %arg0, %c0_i32_0 : i32, i32, i32
  }
  func.func @transform_2(%arg0: i32) -> (i32, i32, i32) {
    %c0_i32 = arith.constant 0 : i32
    %c0_i32_0 = arith.constant 0 : i32
    %c0_i32_1 = arith.constant 0 : i32
    return %c0_i32, %arg0, %c0_i32_0 : i32, i32, i32
  }
  func.func @transform_3(%arg0: i32) -> (i32, i32) {
    %c0_i32 = arith.constant 0 : i32
    %c0_i32_0 = arith.constant 0 : i32
    %c0_i32_1 = arith.constant 0 : i32
    return %c0_i32, %c0_i32_0 : i32, i32
  }
  func.func @transform_4(%arg0: i32) -> (i32, i32) {
    %c0_i32 = arith.constant 0 : i32
    %c0_i32_0 = arith.constant 0 : i32
    %c0_i32_1 = arith.constant 0 : i32
    return %c0_i32, %c0_i32_0 : i32, i32
  }
  func.func @transform_5(%arg0: i32) -> (i32, i32) {
    %c0_i32 = arith.constant 0 : i32
    %c0_i32_0 = arith.constant 0 : i32
    %c0_i32_1 = arith.constant 0 : i32
    return %c0_i32, %c0_i32_0 : i32, i32
  }
  func.func @transform_6(%arg0: i32) -> (i32, i32) {
    %c0_i32 = arith.constant 0 : i32
    %c0_i32_0 = arith.constant 0 : i32
    %c0_i32_1 = arith.constant 0 : i32
    return %c0_i32, %c0_i32_0 : i32, i32
  }
  func.func @transform_7(%arg0: i32) -> (i32, i32) {
    %c0_i32 = arith.constant 0 : i32
    %c0_i32_0 = arith.constant 0 : i32
    %c0_i32_1 = arith.constant 0 : i32
    return %c0_i32, %c0_i32_0 : i32, i32
  }
  func.func @transform_8(%arg0: i32) -> (i32, i32) {
    %c0_i32 = arith.constant 0 : i32
    %c0_i32_0 = arith.constant 0 : i32
    return %arg0, %c0_i32 : i32, i32
  }
}

</mosaic_0001>

<sc_bundles>
// kernel: kernel.8.cloned.1.call-start
scs
__scs_entry_jumppad:
0x0: {  	(pc) =	sbr.rel $0x88, $3  }
0x1: {  	(tag) =	ssettag $0x0;
	lr =	simm.s32 $0x1  }
0x2: {  	[smem:$0x3F94] =	sst lr;
	_ =	strace $0xD0000000  }
0x3: {  	_ = 	snop  }
0x4: {  	_ = 	snop  }
0x5: {  	_ = 	snop  }
0x6: {  	_ = 	snop  }
0x7: {  	_ = 	snop  }
__scs_overlays_trampoline_lowered:
0x8: {  	[smem:$0x3FA3] =	sst s0  }
0x9: {  	[smem:$0x3FA4] =	sst s1  }
0xa: {  	[smem:$0x3FA5] =	sst s2  }
0xb: {  	[smem:$0x3FA6] =	sst s3  }
0xc: {  	[smem:$0x3FA7] =	sst s4  }
0xd: {  	[smem:$0x3FA8] =	sst s5  }
0xe: {  	[smem:$0x3FA9] =	sst s6  }
0xf: {  	[smem:$0x3FAA] =	sst s7  }
0x10: {  	[smem:$0x3FAB] =	sst s8  }
0x11: {  	[smem:$0x3FAC] =	sst s9;
	s0 =	simm.s32 @!p0 $0x0  }
0x12: {  	s1 =	sld [smem:$0x3F92];
	s0 =	simm.s32 @p0 $0x1  }
0x13: {  	[smem:$0x3FAD] =	sst s0;
	s0 =	simm.s32 @!p1 $0x0  }
0x14: {  	s2 =	sld [smem:$0x3F91];
	s0 =	simm.s32 @p1 $0x1  }
0x15: {  	[smem:$0x3FAE] =	sst s0;
	s0 =	simm.s32 @!p2 $0x0  }
0x16: {  	s3 =	sld [smem:$0x3FDB];
	s0 =	simm.s32 @p2 $0x1  }
0x17: {  	s4 =	simm.s32 $0x1BF5;
	[smem:$0x3FB0] =	sst s0  }
0x18: {  	s0 =	sld [smem:$0x3F93];
	_ =	swait.ge [sflag:s4], $0x0  }
0x19: {  	s7 =	sld [smem:$0x3F94]  }
0x1a: {  	s8 =	sadd.s32 $0xFFFFE003, lr  }
0x1b: {  	s9 =	sadd.s32 $0xFFFFFEF7, lr;
	s5 =	simm.s32 $0xFFFFFFFF;
	p2 =	slt.u32 s8, $0xFFFFF086  }
0x1c: {  	p1 =	slt.u32 s9, $0xF7A;
	s5 =	simm.s32 @!p2 $0x0  }
0x1d: {  	s5 =	simm.s32 @p1 $0x1;
	p0 =	seq.s32 s7, s2  }
0x1e: {  	s7 =	smul.u32 @!p0 $0xF7A, s2;
	p2 =	seq.s32 @!p0 s5, $0x0  }
0x1f: {  	s9 =	smul.u32 $0xF7A, s1;
	s8 =	simm.s32 @!p0 $0x1BF5;
	p2 =	por !p2, p0  }
0x20: {  	[sflag:s8] =	ssyncset.s32 @!p0 $0xFFFFF086;
	s6 =	sadd.s32 @!p0 s3, s7;
	s7 =	simm.s32 @!p0 $0x108  }
0x21: {  	s3 =	sadd.s32 s3, s9;
	s6 =	sadd.s32 @!p0 $0x88, s6;
	s7 =	simm.s32 @p2 $0x1082  }
0x22: {  	[simem:s7], [sflag:s8] =	dma.local @!p0 [hbm:s6], $0xF7A  }
0x23: {  	s9 =	sor.u32 $0xD0000000, s2;
	s6 =	simm.s32 $0x108;
	_ =	swait.ge @!p0 [sflag:s8], $0x0  }
0x24: {  	s3 =	sadd.s32 $0x88, s3;
	s6 =	simm.s32 @!p1 $0x1082;
	[sflag:s4] =	ssyncset.s32 $0xFFFFF086  }
0x25: {  	[simem:s6], [sflag:s4] =	dma.local [hbm:s3], $0xF7A  }
0x26: {  	[smem:$0x3F94] =	sst s1;
	(tag) =	ssettag s2;
	_ =	strace s9  }
0x27: {  	s1 =	sld [smem:$0x3FA4]  }
0x28: {  	s2 =	sld [smem:$0x3FA5]  }
0x29: {  	s4 =	sld [smem:$0x3FA7]  }
0x2a: {  	p0 =	seq.s32 s5, $0x0;
	s5 =	sld [smem:$0x3FA8]  }
0x2b: {  	s6 =	sld [smem:$0x3FA9]  }
0x2c: {  	s7 =	sld [smem:$0x3FAA]  }
0x2d: {  	s3 =	simm.s32 $0x108;
	s8 =	sld [smem:$0x3FAB]  }
0x2e: {  	s3 =	simm.s32 @!p0 $0x1082;
	s9 =	sld [smem:$0x3FAC]  }
0x2f: {  	lr =	sadd.s32 s0, s3;
	s0 =	sld [smem:$0x3FA3]  }
0x30: {  	s3 =	sld [smem:$0x3FA6]  }
0x31: {  	[smem:$0x3FAF] =	sst s10  }
0x32: {  	s10 =	sld [smem:$0x3FAD];
	_ =	sdelay $0x3  }
0x33: {  	p0 =	seq.s32 s10, $0x1;
	s10 =	sld [smem:$0x3FAF];
	_ =	sdelay $0x3  }
0x34: {  	[smem:$0x3FAF] =	sst s10  }
0x35: {  	s10 =	sld [smem:$0x3FAE];
	_ =	sdelay $0x3  }
0x36: {  	p1 =	seq.s32 s10, $0x1;
	s10 =	sld [smem:$0x3FAF];
	_ =	sdelay $0x3  }
0x37: {  	[smem:$0x3FAF] =	sst s10  }
0x38: {  	s10 =	sld [smem:$0x3FB0]  }
0x39: {  	_ = 	snop;
	(pc) =	sbr.ind lr, $3  }
0x3a: {  	_ = 	snop  }
0x3b: {  	_ = 	snop  }
0x3c: {  	p2 =	seq.s32 s10, $0x1;
	s10 =	sld [smem:$0x3FAF]  }
0x3d: {  	_ =	shalt  }
0x3e: {  	_ =	shalt  }
0x3f: {  	_ =	shalt  }
0x40: {  	_ =	shalt  }
0x41: {  	_ =	shalt  }
0x42: {  	_ =	shalt  }
0x43: {  	_ =	shalt  }
0x44: {  	_ =	shalt  }
0x45: {  	_ =	shalt  }
0x46: {  	_ =	shalt  }
0x47: {  	_ =	shalt  }
0x48: {  	_ =	shalt  }
0x49: {  	_ =	shalt  }
0x4a: {  	_ =	shalt  }
0x4b: {  	_ =	shalt  }
0x4c: {  	_ =	shalt  }
0x4d: {  	_ =	shalt  }
0x4e: {  	_ =	shalt  }
0x4f: {  	_ =	shalt  }
0x50: {  	_ =	shalt  }
0x51: {  	_ =	shalt  }
0x52: {  	_ =	shalt  }
0x53: {  	_ =	shalt  }
0x54: {  	_ =	shalt  }
0x55: {  	_ =	shalt  }
0x56: {  	_ =	shalt  }
0x57: {  	_ =	shalt  }
0x58: {  	_ =	shalt  }
0x59: {  	_ =	shalt  }
0x5a: {  	_ =	shalt  }
0x5b: {  	_ =	shalt  }
0x5c: {  	_ =	shalt  }
0x5d: {  	_ =	shalt  }
0x5e: {  	_ =	shalt  }
0x5f: {  	_ =	shalt  }
0x60: {  	_ =	shalt  }
0x61: {  	_ =	shalt  }
0x62: {  	_ =	shalt  }
0x63: {  	_ =	shalt  }
0x64: {  	_ =	shalt  }
0x65: {  	_ =	shalt  }
0x66: {  	_ =	shalt  }
0x67: {  	_ =	shalt  }
0x68: {  	_ =	shalt  }
0x69: {  	_ =	shalt  }
0x6a: {  	_ =	shalt  }
0x6b: {  	_ =	shalt  }
0x6c: {  	_ =	shalt  }
0x6d: {  	_ =	shalt  }
0x6e: {  	_ =	shalt  }
0x6f: {  	_ =	shalt  }
0x70: {  	_ =	shalt  }
0x71: {  	_ =	shalt  }
0x72: {  	_ =	shalt  }
0x73: {  	_ =	shalt  }
0x74: {  	_ =	shalt  }
0x75: {  	_ =	shalt  }
0x76: {  	_ =	shalt  }
0x77: {  	_ =	shalt  }
0x78: {  	_ =	shalt  }
0x79: {  	_ =	shalt  }
0x7a: {  	_ =	shalt  }
0x7b: {  	_ =	shalt  }
0x7c: {  	_ =	shalt  }
0x7d: {  	_ =	shalt  }
0x7e: {  	_ =	shalt  }
0x7f: {  	_ =	shalt  }
0x80: {  	_ =	shalt  }
0x81: {  	_ =	shalt  }
0x82: {  	_ =	shalt  }
0x83: {  	_ =	shalt  }
0x84: {  	_ =	shalt  }
0x85: {  	_ =	shalt  }
0x86: {  	_ =	shalt  }
0x87: {  	_ =	shalt  }
.Lfunc_end0:
.L_simem_size_0:
called_computation_lowered:
.L_overlay_start_0:
0x88: {  	s2 =	sld [smem:$0x3FD9]  }
0x89: {  	s3 =	sld [smem:$0x3FFE];
	_ =	sdelay $0x1  }
0x8a: {  	s1 =	srdreg.scid  }
0x8b: {  	s0 =	sand.u32 $0x1, s1  }
0x8c: {  	s17 =	sshll.u32 s0, $0xA;
	s2 =	sadd.s32 s3, s2  }
0x8d: {  	s2 =	sadd.s32 s2, s17  }
0x8e: {  	[smem:$0x3FBB] =	sst s2  }
0x8f: {  	_ = 	snop  }
0x90: {  	s2 =	sld [smem:$0x3FD0];
	(tm) =	ssettm $0x1  }
0x91: {  	s18 =	sld [smem:$0x3FFB];
	_ =	sdelay $0x3  }
0x92: {  	_ =	strace s18  }
0x93: {  	s3 =	sld [smem:$0x3FFC];
	_ =	sdelay $0x3  }
0x94: {  	_ =	strace s3  }
0x95: {  	s3 =	sld [smem:$0x3FFD];
	_ =	sdelay $0x3  }
0x96: {  	_ =	strace s3  }
0x97: {  	_ =	strace $0x8FFFFFFF  }
0x98: {  	s19 =	sld [smem:$0x3FDB];
	_ =	sdelay $0x1  }
0x99: {  	s4 =	simm.s32 $_scs_section_size  }
0x9a: {  	s5 =	simm.s32 $_size__tile_overlayer_lowered;
	s6 =	simm.s32 $_tile_overlayer_lowered  }
0x9b: {  	s22 =	simm.s32 $0x1BFF;
	s21 =	sshll.u32 s6, $0x1;
	s3 =	sadd.s32 s4, s19  }
0x9c: {  	s7 =	simm.s32 $0x0;
	s20 =	sshll.u32 s5, $0x1;
	s5 =	sadd.s32 s21, s3  }
0x9d: {  	[timem:s7], [sflag:s22] =	dma.local [hbm:s5], s20  }
0x9e: {  	_ =	swait.ge [sflag:s22], s20  }
0x9f: {  	s4 =	ssub.s32 $0x0, s20;
	[sflag:s22] =	ssyncset.done $0x0  }
0xa0: {  	[sflag:s22] =	ssyncadd.s32 s4;
	_ =	sdelay $0x1  }
0xa1: {  	s23 =	simm.s32 $0x1B8B  }
0xa2: {  	_ =	swait.ge [sflag:s23], $0x1  }
0xa3: {  	[sflag:s23] =	ssyncset.done $0x0  }
0xa4: {  	s25 =	simm.s32 $0x1B8E;
	s24 =	sld [smem:$0x3FFE];
	[sflag:s23] =	ssyncadd.s32 $0xFFFFFFFF  }
0xa5: {  	s26 =	simm.s32 $execute0_lowered;
	[smem:$0x3FD2] =	sst s25  }
0xa6: {  	s5 =	sshll.u32 s26, $0x1;
	_ =	strace $0x80000046;
	[dreg:$0x1] =	wrdreg $0xFFFFFFFF  }
0xa7: {  	s28 =	simm.s32 $_size_execute0_lowered;
	s3 =	sadd.s32 s3, s5;
	[dreg:$0x0] =	wrdreg $0x0  }
0xa8: {  	s5 =	sshll.u32 s28, $0x1;
	[dreg:$0x2] =	wrdreg s3  }
0xa9: {  	[dreg:$0x3] =	wrdreg s5  }
0xaa: {  	[dreg:$0x4] =	wrdreg $0xC0  }
0xab: {  	_ =	task [dreg:s7], $0x5FFFF  }
0xac: {  	[dreg:$0x1] =	wrdreg $0xFFFFFFFF  }
0xad: {  	[dreg:$0x0] =	wrdreg $0x60  }
0xae: {  	[dreg:$0x2] =	wrdreg s24  }
0xaf: {  	[dreg:$0x3] =	wrdreg s2  }
0xb0: {  	[dreg:$0x4] =	wrdreg $0x86800  }
0xb1: {  	[dreg:$0x5] =	wrdreg $0x1BF000  }
0xb2: {  	[dreg:$0x6] =	wrdreg $0x9  }
0xb3: {  	_ =	task.clear_ibuf [dreg:s7], $0x7FFFF;
	_ =	strace $0x90000046  }
0xb4: {  	s29 =	simm.s32 $0x9;
	_ =	strace $0x80000048  }
0xb5: {  	_ =	swait.ge [sflag:s29], $0x1  }
0xb6: {  	[sflag:s29] =	ssyncadd.s32 $0xFFFFFFFF  }
0xb7: {  	_ =	strace $0x90000048  }
0xb8: {  	_ =	sfence  }
0xb9: {  	s30 =	sld [smem:$0x0];
	_ =	sdelay $0x2  }
0xba: {  	s31 =	sshll.u32 s1, $0xD;
	s1 =	sshrl.u32 s1, $0x2  }
0xbb: {  	s3 =	sand.u32 $0x4000, s31;
	s1 =	sadd.s32 s1, s30  }
0xbc: {  	s0 =	sor.u32 s3, s0;
	s1 =	sshll.u32 s1, $0x11  }
0xbd: {  	s0 =	sor.u32 s1, s0  }
0xbe: {  	s0 =	sadd.s32 $0x8F2B, s0  }
0xbf: {  	[sflag:s0] =	ssyncadd.remote.s32 $0x1  }
0xc0: {  	_ =	sfence.sel $0xFFFF  }
0xc1: {  	[dreg:$0x0] =	wrdreg $0xFFFFFFFF;
	(pc) =	sbr.abs _section_cstart, $3  }
0xc2: {  	[dreg:$0x1] =	wrdreg $0xFFFFFFFF  }
0xc3: {  	_ =	task.clear_ibuf [dreg:s7], $0x2FFFF;
	_ =	strace $0x9FFFFFFF  }
0xc4: {  	(tm) =	ssettm $0x7FFFFFFF  }
0xc5: {  	_ =	shalt  }
tec
execute0_lowered:
.L_overlay_start_1:
0x0: {  	(tag) =	ssettag $0x1  }
0x1: {  	s0 =	rddreg [dreg:$0x0]  }
0x2: {  	s4 =	rddreg [dreg:$0x1]  }
0x3: {  	s1 =	rddreg [dreg:$0x2]  }
0x4: {  	s2 =	rddreg [dreg:$0x3];
	s5 =	srdreg.scid  }
0x5: {  	s3 =	simm.s32 $0x0;
	s20 =	stileid.u32;
	s31 =	simm.s32 $0x200  }
0x6: {  	s5 =	sand.u32 $0x1, s5;
	s6 =	sadd.s32 $0x1800, s0;
	s10 =	smul.u32 $0x3E8, s20  }
0x7: {  	s8 =	sadd.s32 $0xCF600, s0;
	s17 =	smul.u32 $0x13800, s20;
	[smem:$0x7FF] =	sst s3  }
0x8: {  	p1 =	sne.s32 s20, $0x0;
	p2 =	sgt.u32 s20, $0x9;
	s30 =	sadd.s32 $0x138000, s1  }
0x9: {  	s7 =	sshll.u32 s5, $0x4;
	s9 =	ssub.s32 $0x2, s5;
	s13 =	smul.u32 $0x2710, s5  }
0xa: {  	s14 =	smul.u32 $0x138800, s5;
	s7 =	sor.u32 s20, s7;
	s11 =	sshrl.u32 s9, $0x1  }
0xb: {  	s5 =	sshll.u32 s5, $0x8;
	s12 =	sshll.u32 s7, $0x4;
	s9 =	ssub.s32 s9, s11  }
0xc: {  	s11 =	sshll.u32 s20, $0x4;
	s23 =	sadd.s32 s17, s14;
	s14 =	sshrl.u32 s14, $0x3  }
0xd: {  	p0 =	sgt.u32 s7, $0x3;
	s7 =	simm.s32 $0x1;
	s18 =	sadd.s32 s6, s12  }
0xe: {  	s19 =	sadd.s32 s4, s12;
	s15 =	sor.u32 $0x200, s12;
	s16 =	sor.u32 $0x400, s12  }
0xf: {  	s12 =	sor.u32 $0x9A00, s12;
	s25 =	sshrl.u32 s23, $0x3;
	[dreg:$0x5] =	wrdreg s18  }
0x10: {  	s26 =	sor.u32 $0x9C00, s11;
	[dreg:$0x6] =	wrdreg s19;
	s18 =	sadd.s32 s6, s15  }
0x11: {  	s23 =	sadd.s32 s10, s2;
	s15 =	sadd.s32 s4, s15;
	[dreg:$0x7] =	wrdreg s18  }
0x12: {  	s21 =	sadd.s32 s6, s16;
	s22 =	sadd.s32 s4, s16;
	[dreg:$0x8] =	wrdreg s15  }
0x13: {  	s24 =	sadd.s32 s6, s12;
	s12 =	sadd.s32 s4, s12;
	[dreg:$0x9] =	wrdreg s21  }
0x14: {  	s16 =	sadd.s32 s6, s26;
	s17 =	sadd.s32 s4, s26;
	[dreg:$0xa] =	wrdreg s22  }
0x15: {  	s4 =	sadd.s32 s5, s4;
	s5 =	sadd.s32 s5, s6;
	[dreg:$0xb] =	wrdreg s24  }
0x16: {  	s19 =	sadd.s32 s10, s13;
	s10 =	simm.s32 $0x2;
	[dreg:$0xc] =	wrdreg s12  }
0x17: {  	s12 =	sadd.s32 s8, s25;
	s8 =	sadd.s32 s8, s14;
	[dreg:$0xe] =	wrdreg s16  }
0x18: {  	[dreg:$0xf] =	wrdreg s17;
	s18 =	smul.u32 $0x4E000, s20;
	s6 =	sshrl.u32 s19, $0x3  }
0x19: {  	s16 =	sadd.s32 s11, s4;
	s17 =	sadd.s32 s11, s5;
	s21 =	smul.u32 $0xFA0, s20  }
0x1a: {  	s4 =	simm.s32 $0x100;
	s5 =	simm.s32 $0x180;
	s11 =	simm.s32 $0x4  }
0x1b: {  	[dreg:$0xd] =	wrdreg s12;
	s22 =	sadd.s32 s6, s0;
	s26 =	sadd.s32 $0x27000, s8  }
0x1c: {  	s6 =	simm.s32 $0x4200;
	s8 =	simm.s32 $0x8200;
	_ =	strace $0x80000047  }
0x1d: {  	s12 =	sshrl.u32 s18, $0x2;
	s18 =	sadd.s32 $0xB600, s0;
	s25 =	sshrl.u32 s21, $0x2  }
0x1e: {  	[dreg:$0x12] =	wrdreg s26;
	s21 =	simm.s32 $0x80;
	s19 =	sadd.s32 s12, s1  }
0x1f: {  	s0 =	sadd.s32 s25, s2;
	s25 =	smax.u32 s9, $0x1;
	s9 =	simm.s32 $0x3  }
0x20: {  	s12 =	simm.s32 $0x0;
	s24 =	sadd.s32 $0x4000, s19;
	[dreg:$0x11] =	wrdreg s0  }
0x21: {  	s26 =	sadd.s32 $0x8000, s19;
	s28 =	sadd.s32 $0xC000, s19;
	s29 =	sadd.s32 $0x10000, s19  }
0x22: {  	v0 =	vimm.f32 $0.0e+00;
	v1 =	vimm.f32 $1.000000000e+00;
	s0 =	simm.s32 $0x5;
	[dreg:$0x10] =	wrdreg s24;
	s24 =	sadd.s32 $0xCEC00, s22  }
.LBB2_1:
0x23: {  	s13 =	simm.s32 $0x0;
	s14 =	simm.s32 $0x200  }
.LBB2_2:
0x24: {  	p3 =	sne.s32 s14, $0xFE00;
	[tilespmem:s13+$0x270] =	vst v0  }
0x25: {  	[tilespmem:s13+$0x200] =	vst v0  }
0x26: {  	[tilespmem:s13+$0x210] =	vst v0  }
.Ltmp0:
0x27: {  	[tilespmem:s13+$0x220] =	vst v0;
	(pc) =	sbr.rel @p3 .LBB2_2-.Ltmp0, $4  }
0x28: {  	[tilespmem:s13+$0x230] =	vst v0  }
0x29: {  	[tilespmem:s13+$0x240] =	vst v0  }
0x2a: {  	[tilespmem:s13+$0x250] =	vst v0  }
0x2b: {  	[tilespmem:s13+$0x260] =	vst v0;
	s13 =	sshra.s32 s14, $0x2;
	s14 =	sadd.s32 $0x200, s14  }
0x2c: {  	[tilespmem:s13+$0x270] =	vst v0  }
0x2d: {  	[tilespmem:s13+$0x200] =	vst v0  }
0x2e: {  	[tilespmem:s13+$0x210] =	vst v0  }
0x2f: {  	[tilespmem:s13+$0x220] =	vst v0  }
0x30: {  	[tilespmem:s13+$0x230] =	vst v0  }
0x31: {  	[tilespmem:s13+$0x240] =	vst v0  }
0x32: {  	[tilespmem:s13+$0x250] =	vst v0  }
0x33: {  	[tilespmem:s13+$0x260] =	vst v0;
	s13 =	simm.s32 $0x40;
	s14 =	simm.s32 $0x0  }
.LBB2_4:
0x34: {  	p3 =	sne.s32 s13, $0xF40;
	[tilespmem:s14+$0x8280] =	vst v0;
	s14 =	smov.u32 s13;
	s13 =	sadd.s32 $0x40, s13  }
.Ltmp1:
0x35: {  	(pc) =	sbr.rel @p3 .LBB2_4-.Ltmp1, $2  }
0x36: {  	_ =	sdelay $0x2  }
0x37: {  	s14 =	sshra.s32 s14, $0x2  }
0x38: {  	[tilespmem:s14+$0x8280] =	vst v0  }
0x39: {  	[tilespmem:$0x8658] =	vst v0  }
0x3a: {  	[tilespmem:$0x8200] =	vst v1  }
0x3b: {  	[tilespmem:$0x8210] =	vst v1  }
0x3c: {  	[tilespmem:$0x8220] =	vst v1  }
0x3d: {  	[tilespmem:$0x8230] =	vst v1  }
0x3e: {  	[tilespmem:$0x8240] =	vst v1  }
0x3f: {  	[tilespmem:$0x8250] =	vst v1  }
0x40: {  	[tilespmem:$0x8260] =	vst v1  }
0x41: {  	[tilespmem:$0x8270] =	vst v1  }
0x42: {  	[spmem:s19] =	stream.linear.scatter [tilespmem:s31], [sflag:$0x5], $0x4000, $0x38;
	[tilespmem:$0x1C178] =	vst v63  }
0x43: {  	_ =	swait.ge [sflag:s0], $0x4000  }
0x44: {  	[sflag:s0] =	ssyncset.done $0x0  }
0x45: {  	s13 =	rddreg [dreg:$0x10];
	[sflag:s0] =	ssyncadd.s32 $0xFFFFC000  }
0x46: {  	[spmem:s13] =	stream.linear.scatter [tilespmem:s31], [sflag:$0x5], $0x4000, $0x38;
	[tilespmem:$0x1C178] =	vst v63  }
0x47: {  	_ =	swait.ge [sflag:s0], $0x4000  }
0x48: {  	[sflag:s0] =	ssyncset.done $0x0  }
0x49: {  	[sflag:s0] =	ssyncadd.s32 $0xFFFFC000  }
0x4a: {  	[spmem:s26] =	stream.linear.scatter [tilespmem:s31], [sflag:$0x5], $0x4000, $0x38;
	[tilespmem:$0x1C178] =	vst v63  }
0x4b: {  	_ =	swait.ge [sflag:s0], $0x4000  }
0x4c: {  	[sflag:s0] =	ssyncset.done $0x0  }
0x4d: {  	[sflag:s0] =	ssyncadd.s32 $0xFFFFC000  }
0x4e: {  	[spmem:s28] =	stream.linear.scatter [tilespmem:s31], [sflag:$0x5], $0x4000, $0x38;
	[tilespmem:$0x1C178] =	vst v63  }
0x4f: {  	_ =	swait.ge [sflag:s0], $0x4000  }
0x50: {  	[sflag:s0] =	ssyncset.done $0x0  }
.Ltmp2:
0x51: {  	[sflag:s0] =	ssyncadd.s32 $0xFFFFC000;
	(pc) =	sbr.rel @!p1 .LBB2_6-.Ltmp2, $4  }
0x52: {  	[spmem:s29] =	stream.linear.scatter [tilespmem:s31], [sflag:$0x5], $0x3800, $0x38;
	[tilespmem:$0x1C178] =	vst v63  }
0x53: {  	_ =	swait.ge [sflag:s0], $0x3800  }
0x54: {  	[sflag:s0] =	ssyncset.done $0x0  }
0x55: {  	[sflag:s0] =	ssyncadd.s32 $0xFFFFC800  }
.Ltmp3:
0x56: {  	(pc) =	sbr.rel @p2 .LBB2_9-.Ltmp3, $4  }
.Ltmp4:
0x57: {  	(pc) =	sbr.rel @!p2 .LBB2_8-.Ltmp4, $4  }
0x58: {  	_ = 	snop  }
0x59: {  	_ = 	snop  }
0x5a: {  	p3 =	por $0x0, $0x0  }
0x5b: {  	_ = 	snop  }
.LBB2_6:
0x5c: {  	[spmem:s30] =	stream.linear.scatter [tilespmem:s31], [sflag:$0x5], $0x800, $0x38;
	[tilespmem:$0x1C178] =	vst v63  }
0x5d: {  	_ =	swait.ge [sflag:s0], $0x800  }
0x5e: {  	[sflag:s0] =	ssyncset.done $0x0  }
0x5f: {  	[sflag:s0] =	ssyncadd.s32 $0xFFFFF800  }
.LBB2_8:
0x60: {  	s13 =	rddreg [dreg:$0x11];
	s14 =	simm.s32 $0x8280  }
0x61: {  	[spmem:s13] =	stream.linear.scatter [tilespmem:s14], [sflag:$0x5], $0x3E8, $0x38;
	[tilespmem:$0x1C178] =	vst v63  }
0x62: {  	_ =	swait.ge [sflag:s0], $0x3E8  }
0x63: {  	[sflag:s0] =	ssyncset.done $0x0  }
0x64: {  	p3 =	por $0x1, $0x1;
	[sflag:s0] =	ssyncadd.s32 $0xFFFFFC18  }
.LBB2_9:
0x65: {  	s13 =	simm.s32 $0x0;
	s14 =	rddreg [dreg:$0x5]  }
0x66: {  	[tilespmem:s13], [sflag:$0x5] =	stream.linear.gather [hbm4b:s14+s13], $0x80, $0x38;
	[tilespmem:$0x1C178] =	vst v63  }
0x67: {  	_ =	swait.ge [sflag:s0], $0x80  }
0x68: {  	[sflag:s0] =	ssyncset.done $0x0  }
0x69: {  	s15 =	rddreg [dreg:$0x6];
	[sflag:s0] =	ssyncadd.s32 $0xFFFFFF80  }
0x6a: {  	[tilespmem:s4], [sflag:$0x5] =	stream.linear.gather [hbm4b:s15+s13], $0x80, $0x38;
	[tilespmem:$0x1C178] =	vst v63  }
0x6b: {  	_ =	swait.ge [sflag:s0], $0x80  }
0x6c: {  	[sflag:s0] =	ssyncset.done $0x0  }
0x6d: {  	[sflag:s0] =	ssyncadd.s32 $0xFFFFFF80  }
0x6e: {  	[tilespmem:s31], [sflag:$0x1] =	stream.indirect.gather [hbm4b:s18+s21], $0x80, s13, s21, $0xb8;
	[tilespmem:$0x1C178] =	vst v63  }
0x6f: {  	[bflag:$0x0] =	sbarrier.arrive $0xFFFF  }
0x70: {  	s20 =	rddreg [dreg:$0x7]  }
0x71: {  	[tilespmem:s21], [sflag:$0x5] =	stream.linear.gather [hbm4b:s20+s13], $0x80, $0x38;
	[tilespmem:$0x1C178] =	vst v63  }
0x72: {  	_ =	swait.ge [sflag:s0], $0x80  }
0x73: {  	[sflag:s0] =	ssyncset.done $0x0  }
0x74: {  	s22 =	rddreg [dreg:$0x8];
	[sflag:s0] =	ssyncadd.s32 $0xFFFFFF80  }
0x75: {  	[tilespmem:s5], [sflag:$0x5] =	stream.linear.gather [hbm4b:s22+s13], $0x80, $0x38;
	[tilespmem:$0x1C178] =	vst v63  }
0x76: {  	_ =	swait.ge [sflag:s0], $0x80  }
0x77: {  	[sflag:s0] =	ssyncset.done $0x0  }
0x78: {  	[sflag:s0] =	ssyncadd.s32 $0xFFFFFF80  }
0x79: {  	[tilespmem:s6], [sflag:$0x2] =	stream.indirect.gather [hbm4b:s18+s21], $0x80, s21, s21, $0xb8;
	[tilespmem:$0x1C178] =	vst v63  }
0x7a: {  	_ =	swait.ge [sflag:s7], $0x4000  }
0x7b: {  	[sflag:s7] =	ssyncset.done $0x0  }
0x7c: {  	[sflag:s7] =	ssyncadd.s32 $0xFFFFC000  }
0x7d: {  	[spmem:s1] =	stream.indirect.scatter.add.f32 [tilespmem:s31], [sflag:$0x3], $0x80, s4, s21, $0xb8;
	[tilespmem:$0x1C178] =	vst v63  }
0x7e: {  	_ = 	snop  }
0x7f: {  	[spmem:s2] =	stream.indirect.scatter.add.f32 [tilespmem:s8], [sflag:$0x5], $0x1, s4, s21, $0xb8;
	[tilespmem:$0x1C178] =	vst v63  }
0x80: {  	_ =	swait.ge [sflag:s0], $0x80  }
0x81: {  	[sflag:s0] =	ssyncset.done $0x0  }
0x82: {  	[sflag:s0] =	ssyncadd.s32 $0xFFFFFF80  }
0x83: {  	_ =	swait.ge [sflag:s9], $0x4000  }
0x84: {  	[sflag:s9] =	ssyncset.done $0x0  }
0x85: {  	s15 =	rddreg [dreg:$0x9];
	[sflag:s9] =	ssyncadd.s32 $0xFFFFC000  }
0x86: {  	[tilespmem:s13], [sflag:$0x5] =	stream.linear.gather [hbm4b:s15+s13], $0x80, $0x38;
	[tilespmem:$0x1C178] =	vst v63  }
0x87: {  	_ =	swait.ge [sflag:s0], $0x80  }
0x88: {  	[sflag:s0] =	ssyncset.done $0x0  }
0x89: {  	s20 =	rddreg [dreg:$0xa];
	[sflag:s0] =	ssyncadd.s32 $0xFFFFFF80  }
0x8a: {  	[tilespmem:s4], [sflag:$0x5] =	stream.linear.gather [hbm4b:s20+s13], $0x80, $0x38;
	[tilespmem:$0x1C178] =	vst v63  }
0x8b: {  	_ =	swait.ge [sflag:s0], $0x80  }
0x8c: {  	[sflag:s0] =	ssyncset.done $0x0  }
0x8d: {  	[sflag:s0] =	ssyncadd.s32 $0xFFFFFF80  }
0x8e: {  	[tilespmem:s31], [sflag:$0x1] =	stream.indirect.gather [hbm4b:s18+s21], $0x80, s13, s21, $0xb8;
	[tilespmem:$0x1C178] =	vst v63  }
0x8f: {  	_ =	swait.ge [sflag:s10], $0x4000  }
0x90: {  	[sflag:s10] =	ssyncset.done $0x0  }
0x91: {  	[sflag:s10] =	ssyncadd.s32 $0xFFFFC000  }
0x92: {  	[spmem:s1] =	stream.indirect.scatter.add.f32 [tilespmem:s6], [sflag:$0x4], $0x80, s5, s21, $0xb8;
	[tilespmem:$0x1C178] =	vst v63  }
0x93: {  	_ = 	snop  }
0x94: {  	[spmem:s2] =	stream.indirect.scatter.add.f32 [tilespmem:s8], [sflag:$0x5], $0x1, s5, s21, $0xb8;
	[tilespmem:$0x1C178] =	vst v63  }
0x95: {  	_ =	swait.ge [sflag:s0], $0x80  }
0x96: {  	[sflag:s0] =	ssyncset.done $0x0  }
0x97: {  	[sflag:s0] =	ssyncadd.s32 $0xFFFFFF80  }
0x98: {  	_ =	swait.ge [sflag:s11], $0x4000  }
0x99: {  	s22 =	sadd.s32 $0x0, s17;
	[sflag:s11] =	ssyncset.done $0x0  }
0x9a: {  	s15 =	sadd.s32 $0x600, s22;
	[sflag:s11] =	ssyncadd.s32 $0xFFFFC000  }
0x9b: {  	[tilespmem:s21], [sflag:$0x5] =	stream.linear.gather [hbm4b:s15+s3], $0x80, $0x38;
	[tilespmem:$0x1C178] =	vst v63  }
0x9c: {  	_ =	swait.ge [sflag:s0], $0x80  }
0x9d: {  	s20 =	sadd.s32 $0x0, s16;
	[sflag:s0] =	ssyncset.done $0x0  }
0x9e: {  	s15 =	sadd.s32 $0x600, s20;
	[sflag:s0] =	ssyncadd.s32 $0xFFFFFF80  }
0x9f: {  	[tilespmem:s5], [sflag:$0x5] =	stream.linear.gather [hbm4b:s15+s3], $0x80, $0x38;
	[tilespmem:$0x1C178] =	vst v63  }
0xa0: {  	_ =	swait.ge [sflag:s0], $0x80  }
0xa1: {  	[sflag:s0] =	ssyncset.done $0x0  }
0xa2: {  	[sflag:s0] =	ssyncadd.s32 $0xFFFFFF80  }
0xa3: {  	[tilespmem:s6], [sflag:$0x2] =	stream.indirect.gather [hbm4b:s18+s21], $0x80, s21, s21, $0xb8;
	[tilespmem:$0x1C178] =	vst v63  }
0xa4: {  	_ =	swait.ge [sflag:s7], $0x4000  }
0xa5: {  	[sflag:s7] =	ssyncset.done $0x0  }
0xa6: {  	[sflag:s7] =	ssyncadd.s32 $0xFFFFC000  }
0xa7: {  	[spmem:s1] =	stream.indirect.scatter.add.f32 [tilespmem:s31], [sflag:$0x3], $0x80, s4, s21, $0xb8;
	[tilespmem:$0x1C178] =	vst v63  }
0xa8: {  	_ = 	snop  }
0xa9: {  	[spmem:s2] =	stream.indirect.scatter.add.f32 [tilespmem:s8], [sflag:$0x5], $0x1, s4, s21, $0xb8;
	[tilespmem:$0x1C178] =	vst v63  }
0xaa: {  	_ =	swait.ge [sflag:s0], $0x80  }
0xab: {  	[sflag:s0] =	ssyncset.done $0x0  }
0xac: {  	[sflag:s0] =	ssyncadd.s32 $0xFFFFFF80  }
0xad: {  	_ =	swait.ge [sflag:s9], $0x4000  }
0xae: {  	[sflag:s9] =	ssyncset.done $0x0  }
0xaf: {  	s13 =	sadd.s32 $0x800, s22;
	[sflag:s9] =	ssyncadd.s32 $0xFFFFC000  }
0xb0: {  	[tilespmem:s3], [sflag:$0x5] =	stream.linear.gather [hbm4b:s13+s3], $0x80, $0x38;
	[tilespmem:$0x1C178] =	vst v63  }
0xb1: {  	_ =	swait.ge [sflag:s0], $0x80  }
0xb2: {  	[sflag:s0] =	ssyncset.done $0x0  }
0xb3: {  	s22 =	sadd.s32 $0x800, s20;
	[sflag:s0] =	ssyncadd.s32 $0xFFFFFF80  }
0xb4: {  	[tilespmem:s4], [sflag:$0x5] =	stream.linear.gather [hbm4b:s22+s3], $0x80, $0x38;
	[tilespmem:$0x1C178] =	vst v63  }
0xb5: {  	_ =	swait.ge [sflag:s0], $0x80  }
0xb6: {  	[sflag:s0] =	ssyncset.done $0x0  }
0xb7: {  	[sflag:s0] =	ssyncadd.s32 $0xFFFFFF80  }
0xb8: {  	[tilespmem:s31], [sflag:$0x1] =	stream.indirect.gather [hbm4b:s18+s21], $0x80, s3, s21, $0xb8;
	[tilespmem:$0x1C178] =	vst v63  }
0xb9: {  	_ =	swait.ge [sflag:s10], $0x4000  }
0xba: {  	[sflag:s10] =	ssyncset.done $0x0  }
0xbb: {  	[sflag:s10] =	ssyncadd.s32 $0xFFFFC000  }
0xbc: {  	[spmem:s1] =	stream.indirect.scatter.add.f32 [tilespmem:s6], [sflag:$0x4], $0x80, s5, s21, $0xb8;
	[tilespmem:$0x1C178] =	vst v63  }
0xbd: {  	_ = 	snop  }
0xbe: {  	[spmem:s2] =	stream.indirect.scatter.add.f32 [tilespmem:s8], [sflag:$0x5], $0x1, s5, s21, $0xb8;
	[tilespmem:$0x1C178] =	vst v63  }
0xbf: {  	_ =	swait.ge [sflag:s0], $0x80  }
0xc0: {  	s13 =	simm.s32 $0x400;
	[sflag:s0] =	ssyncset.done $0x0  }
.LBB2_10:
0xc1: {  	p4 =	sne.s32 s13, $0x9000  }
0xc2: {  	[sflag:s0] =	ssyncadd.s32 $0xFFFFFF80;
	s14 =	smov.u32 s13;
	s13 =	sadd.s32 $0x400, s13  }
0xc3: {  	_ = 	snop  }
0xc4: {  	_ =	swait.ge [sflag:s11], $0x4000  }
0xc5: {  	s15 =	sadd.s32 s14, s17;
	[sflag:s11] =	ssyncset.done $0x0  }
0xc6: {  	s20 =	sadd.s32 $0x600, s15;
	[sflag:s11] =	ssyncadd.s32 $0xFFFFC000  }
0xc7: {  	[tilespmem:s21], [sflag:$0x5] =	stream.linear.gather [hbm4b:s20+s3], $0x80, $0x38;
	[tilespmem:$0x1C178] =	vst v63  }
0xc8: {  	_ =	swait.ge [sflag:s0], $0x80  }
0xc9: {  	s14 =	sadd.s32 s14, s16;
	[sflag:s0] =	ssyncset.done $0x0  }
0xca: {  	s20 =	sadd.s32 $0x600, s14;
	[sflag:s0] =	ssyncadd.s32 $0xFFFFFF80  }
0xcb: {  	[tilespmem:s5], [sflag:$0x5] =	stream.linear.gather [hbm4b:s20+s3], $0x80, $0x38;
	[tilespmem:$0x1C178] =	vst v63  }
0xcc: {  	_ =	swait.ge [sflag:s0], $0x80  }
0xcd: {  	[sflag:s0] =	ssyncset.done $0x0  }
0xce: {  	[sflag:s0] =	ssyncadd.s32 $0xFFFFFF80  }
0xcf: {  	[tilespmem:s6], [sflag:$0x2] =	stream.indirect.gather [hbm4b:s18+s21], $0x80, s21, s21, $0xb8;
	[tilespmem:$0x1C178] =	vst v63  }
0xd0: {  	_ =	swait.ge [sflag:s7], $0x4000  }
0xd1: {  	[sflag:s7] =	ssyncset.done $0x0  }
0xd2: {  	[sflag:s7] =	ssyncadd.s32 $0xFFFFC000  }
0xd3: {  	[spmem:s1] =	stream.indirect.scatter.add.f32 [tilespmem:s31], [sflag:$0x3], $0x80, s4, s21, $0xb8;
	[tilespmem:$0x1C178] =	vst v63  }
0xd4: {  	_ = 	snop  }
0xd5: {  	[spmem:s2] =	stream.indirect.scatter.add.f32 [tilespmem:s8], [sflag:$0x5], $0x1, s4, s21, $0xb8;
	[tilespmem:$0x1C178] =	vst v63  }
0xd6: {  	_ =	swait.ge [sflag:s0], $0x80  }
0xd7: {  	[sflag:s0] =	ssyncset.done $0x0  }
0xd8: {  	[sflag:s0] =	ssyncadd.s32 $0xFFFFFF80  }
0xd9: {  	_ =	swait.ge [sflag:s9], $0x4000  }
0xda: {  	[sflag:s9] =	ssyncset.done $0x0  }
0xdb: {  	s15 =	sadd.s32 $0x800, s15;
	[sflag:s9] =	ssyncadd.s32 $0xFFFFC000  }
0xdc: {  	[tilespmem:s3], [sflag:$0x5] =	stream.linear.gather [hbm4b:s15+s3], $0x80, $0x38;
	[tilespmem:$0x1C178] =	vst v63  }
0xdd: {  	_ =	swait.ge [sflag:s0], $0x80  }
0xde: {  	[sflag:s0] =	ssyncset.done $0x0  }
0xdf: {  	s14 =	sadd.s32 $0x800, s14;
	[sflag:s0] =	ssyncadd.s32 $0xFFFFFF80  }
0xe0: {  	[tilespmem:s4], [sflag:$0x5] =	stream.linear.gather [hbm4b:s14+s3], $0x80, $0x38;
	[tilespmem:$0x1C178] =	vst v63  }
0xe1: {  	_ =	swait.ge [sflag:s0], $0x80  }
0xe2: {  	[sflag:s0] =	ssyncset.done $0x0  }
0xe3: {  	[sflag:s0] =	ssyncadd.s32 $0xFFFFFF80  }
0xe4: {  	[tilespmem:s31], [sflag:$0x1] =	stream.indirect.gather [hbm4b:s18+s21], $0x80, s3, s21, $0xb8;
	[tilespmem:$0x1C178] =	vst v63  }
0xe5: {  	_ =	swait.ge [sflag:s10], $0x4000  }
0xe6: {  	[sflag:s10] =	ssyncset.done $0x0  }
0xe7: {  	[sflag:s10] =	ssyncadd.s32 $0xFFFFC000  }
0xe8: {  	[spmem:s1] =	stream.indirect.scatter.add.f32 [tilespmem:s6], [sflag:$0x4], $0x80, s5, s21, $0xb8;
	[tilespmem:$0x1C178] =	vst v63  }
.Ltmp5:
0xe9: {  	_ = 	snop;
	(pc) =	sbr.rel @p4 .LBB2_10-.Ltmp5, $4  }
0xea: {  	_ = 	snop  }
0xeb: {  	[spmem:s2] =	stream.indirect.scatter.add.f32 [tilespmem:s8], [sflag:$0x5], $0x1, s5, s21, $0xb8;
	[tilespmem:$0x1C178] =	vst v63  }
0xec: {  	_ =	swait.ge [sflag:s0], $0x80  }
0xed: {  	[sflag:s0] =	ssyncset.done $0x0  }
0xee: {  	[sflag:s0] =	ssyncadd.s32 $0xFFFFFF80  }
0xef: {  	_ =	swait.ge [sflag:s11], $0x4000  }
0xf0: {  	[sflag:s11] =	ssyncset.done $0x0  }
0xf1: {  	s13 =	rddreg [dreg:$0xb];
	[sflag:s11] =	ssyncadd.s32 $0xFFFFC000  }
0xf2: {  	[tilespmem:s21], [sflag:$0x5] =	stream.linear.gather [hbm4b:s13+s3], $0x80, $0x38;
	[tilespmem:$0x1C178] =	vst v63  }
0xf3: {  	_ =	swait.ge [sflag:s0], $0x80  }
0xf4: {  	[sflag:s0] =	ssyncset.done $0x0  }
0xf5: {  	s14 =	rddreg [dreg:$0xc];
	[sflag:s0] =	ssyncadd.s32 $0xFFFFFF80  }
0xf6: {  	[tilespmem:s5], [sflag:$0x5] =	stream.linear.gather [hbm4b:s14+s3], $0x80, $0x38;
	[tilespmem:$0x1C178] =	vst v63  }
0xf7: {  	_ =	swait.ge [sflag:s0], $0x80  }
0xf8: {  	[sflag:s0] =	ssyncset.done $0x0  }
0xf9: {  	[sflag:s0] =	ssyncadd.s32 $0xFFFFFF80  }
0xfa: {  	[tilespmem:s6], [sflag:$0x2] =	stream.indirect.gather [hbm4b:s18+s21], $0x80, s21, s21, $0xb8;
	[tilespmem:$0x1C178] =	vst v63  }
0xfb: {  	_ =	swait.ge [sflag:s7], $0x4000  }
0xfc: {  	[sflag:s7] =	ssyncset.done $0x0  }
0xfd: {  	[sflag:s7] =	ssyncadd.s32 $0xFFFFC000  }
0xfe: {  	[spmem:s1] =	stream.indirect.scatter.add.f32 [tilespmem:s31], [sflag:$0x3], $0x80, s4, s21, $0xb8;
	[tilespmem:$0x1C178] =	vst v63  }
0xff: {  	_ = 	snop  }
0x100: {  	[spmem:s2] =	stream.indirect.scatter.add.f32 [tilespmem:s8], [sflag:$0x5], $0x1, s4, s21, $0xb8;
	[tilespmem:$0x1C178] =	vst v63  }
0x101: {  	_ =	swait.ge [sflag:s0], $0x80  }
0x102: {  	[sflag:s0] =	ssyncset.done $0x0  }
0x103: {  	[sflag:s0] =	ssyncadd.s32 $0xFFFFFF80  }
0x104: {  	_ =	swait.ge [sflag:s9], $0x4000  }
0x105: {  	[sflag:s9] =	ssyncset.done $0x0  }
0x106: {  	[sflag:s9] =	ssyncadd.s32 $0xFFFFC000  }
0x107: {  	_ =	swait.ge [sflag:s10], $0x4000  }
0x108: {  	[sflag:s10] =	ssyncset.done $0x0  }
0x109: {  	[sflag:s10] =	ssyncadd.s32 $0xFFFFC000  }
0x10a: {  	[spmem:s1] =	stream.indirect.scatter.add.f32 [tilespmem:s6], [sflag:$0x4], $0x80, s5, s21, $0xb8;
	[tilespmem:$0x1C178] =	vst v63  }
0x10b: {  	_ = 	snop  }
0x10c: {  	[spmem:s2] =	stream.indirect.scatter.add.f32 [tilespmem:s8], [sflag:$0x5], $0x1, s5, s21, $0xb8;
	[tilespmem:$0x1C178] =	vst v63  }
0x10d: {  	_ =	swait.ge [sflag:s0], $0x80  }
0x10e: {  	[sflag:s0] =	ssyncset.done $0x0  }
0x10f: {  	[sflag:s0] =	ssyncadd.s32 $0xFFFFFF80  }
0x110: {  	_ =	swait.ge [sflag:s11], $0x4000  }
0x111: {  	[sflag:s11] =	ssyncset.done $0x0  }
0x112: {  	s13 =	simm.s32 @!p0 $0x0;
	s14 =	rddreg [dreg:$0xe];
	[sflag:s11] =	ssyncadd.s32 $0xFFFFC000  }
0x113: {  	[tilespmem:s13], [sflag:$0x5] =	stream.linear.gather @!p0 [hbm4b:s14+s13], $0x80, $0x38;
	[tilespmem:$0x1C178] =	vst v63  }
0x114: {  	s14 =	simm.s32 @!p0 $0x5  }
0x115: {  	_ =	swait.ge @!p0 [sflag:s14], $0x80  }
0x116: {  	[sflag:s14] =	ssyncset.done @!p0 $0x0  }
0x117: {  	s15 =	simm.s32 @!p0 $0x100;
	s20 =	rddreg [dreg:$0xf];
	[sflag:s14] =	ssyncadd.s32 @!p0 $0xFFFFFF80  }
0x118: {  	[tilespmem:s15], [sflag:$0x5] =	stream.linear.gather @!p0 [hbm4b:s20+s13], $0x80, $0x38;
	[tilespmem:$0x1C178] =	vst v63  }
0x119: {  	_ =	swait.ge @!p0 [sflag:s14], $0x80  }
0x11a: {  	[sflag:s14] =	ssyncset.done @!p0 $0x0  }
0x11b: {  	s22 =	simm.s32 @!p0 $0x200;
	s20 =	simm.s32 @!p0 $0x80;
	[sflag:s14] =	ssyncadd.s32 @!p0 $0xFFFFFF80  }
0x11c: {  	[tilespmem:s22], [sflag:$0x1] =	stream.indirect.gather @!p0 [hbm4b:s18+s20], $0x80, s13, s20, $0xb8;
	[tilespmem:$0x1C178] =	vst v63  }
0x11d: {  	s13 =	simm.s32 @!p0 $0x1  }
0x11e: {  	_ =	swait.ge @!p0 [sflag:s13], $0x4000  }
0x11f: {  	[sflag:s13] =	ssyncset.done @!p0 $0x0  }
0x120: {  	[sflag:s13] =	ssyncadd.s32 @!p0 $0xFFFFC000  }
0x121: {  	[spmem:s1] =	stream.indirect.scatter.add.f32 @!p0 [tilespmem:s22], [sflag:$0x5], $0x80, s15, s20, $0xb8;
	[tilespmem:$0x1C178] =	vst v63  }
0x122: {  	_ =	swait.ge @!p0 [sflag:s14], $0x4000  }
0x123: {  	[sflag:s14] =	ssyncset.done @!p0 $0x0  }
0x124: {  	s13 =	simm.s32 @!p0 $0x8200;
	[sflag:s14] =	ssyncadd.s32 @!p0 $0xFFFFC000  }
0x125: {  	[spmem:s2] =	stream.indirect.scatter.add.f32 @!p0 [tilespmem:s13], [sflag:$0x5], $0x1, s15, s20, $0xb8;
	[tilespmem:$0x1C178] =	vst v63  }
0x126: {  	_ =	swait.ge @!p0 [sflag:s14], $0x80  }
0x127: {  	[sflag:s14] =	ssyncset.done @!p0 $0x0  }
0x128: {  	s15 =	stileid.u32;
	[sflag:s14] =	ssyncadd.s32 @!p0 $0xFFFFFF80  }
0x129: {  	s13 =	sshll.u32 s15, $0x6;
	[bflag:$0x0] =	sbarrier.arrive $0xFFFF  }
0x12a: {  	s20 =	sshrl.u32 s19, $0x3;
	s13 =	sor.u32 $0x1C05, s13;
	s22 =	rddreg [dreg:$0xd]  }
0x12b: {  	[hbm:s22], [sflag:s13] =	dma.local [spmem:s20], $0x2700  }
0x12c: {  	_ =	swait.ge [sflag:s0], $0x2700  }
0x12d: {  	[sflag:s0] =	ssyncset.done $0x0  }
0x12e: {  	s14 =	sshrl.u32 @!p1 s30, $0x3;
	s15 =	rddreg [dreg:$0x12];
	[sflag:s0] =	ssyncadd.s32 $0xFFFFD900  }
0x12f: {  	[hbm:s15], [sflag:s13] =	dma.local @!p1 [spmem:s14], $0x100  }
0x130: {  	s13 =	simm.s32 @!p1 $0x5  }
0x131: {  	_ =	swait.ge @!p1 [sflag:s13], $0x100  }
0x132: {  	[sflag:s13] =	ssyncset.done @!p1 $0x0  }
0x133: {  	s14 =	simm.s32 @p3 $0x5;
	[sflag:s13] =	ssyncadd.s32 @!p1 $0xFFFFFF00;
	s13 =	simm.s32 @p3 $0x8280  }
0x134: {  	[tilespmem:s13], [sflag:$0x5] =	stream.linear.gather @p3 [spmem:s23], $0x3E8, $0x38;
	[tilespmem:$0x1C178] =	vst v63  }
0x135: {  	s12 =	sadd.s32 $0x1, s12;
	_ =	swait.ge @p3 [sflag:s14], $0x3E8  }
0x136: {  	p4 =	sne.s32 s12, s25;
	[sflag:s14] =	ssyncset.done @p3 $0x0  }
.Ltmp6:
0x137: {  	s15 =	simm.s32 @p3 $0x0;
	[sflag:s14] =	ssyncadd.s32 @p3 $0xFFFFFC18;
	(pc) =	sbr.rel @p4 .LBB2_1-.Ltmp6, $4  }
0x138: {  	[hbm4b:s24+s15] =	stream.linear.scatter @p3 [tilespmem:s13], [sflag:$0x5], $0x3E8, $0x38;
	[tilespmem:$0x1C178] =	vst v63  }
0x139: {  	_ =	swait.ge @p3 [sflag:s14], $0x3E8  }
0x13a: {  	[sflag:s14] =	ssyncset.done @p3 $0x0  }
0x13b: {  	[sflag:s14] =	ssyncadd.s32 @p3 $0xFFFFFC18  }
0x13c: {  	_ =	sfence.sel $0x180000  }
0x13d: {  	[bflag:$0x0] =	sbarrier.arrive $0xFFFF  }
0x13e: {  	_ =	strace $0x90000047  }
0x13f: {  	[bflag:$0x2] =	sbarrier.arrive $0xFFFF  }
0x140: {  	s0 =	rddreg [dreg:$0x4]  }
0x141: {  	s0 =	sadd.s32 @!p1 $0x100000, s0  }
0x142: {  	[sflag:s0] =	ssyncadd.tile.s32 @!p1 $0x1;
	_ =	shalt  }
.Lfunc_end2:
_tile_overlayer_lowered:
.L_overlay_start_2:
0x143: {  	(tag) =	ssettag $0x2  }
0x144: {  	s0 =	rddreg [dreg:$0x0];
	s2 =	stileid.u32  }
0x145: {  	s1 =	rddreg [dreg:$0x1];
	p0 =	sne.s32 s2, $0x0  }
0x146: {  	s3 =	rddreg [dreg:$0x2];
	[bflag:$0x3] =	sbarrier.arrive $0xFFFF;
	s2 =	simm.s32 @!p0 $0x1C05  }
0x147: {  	[timem:s3], [sflag:s2] =	dma.local @!p0 [hbm:s0], s1  }
0x148: {  	s0 =	simm.s32 @!p0 $0x5  }
0x149: {  	_ =	swait.ge @!p0 [sflag:s0], s1  }
0x14a: {  	s1 =	ssub.s32 @!p0 $0x0, s1;
	[sflag:s0] =	ssyncset.done @!p0 $0x0  }
0x14b: {  	[sflag:s0] =	ssyncadd.s32 @!p0 s1  }
0x14c: {  	[bflag:$0x3] =	sbarrier.arrive $0xFFFF  }
0x14d: {  	_ =	shalt  }

</sc_bundles>
